<compile_context>
chip_gen: v7x
topology: tpu7x:2x2x1
jax: 0.10.2.dev20260603
libtpu: 0.0.44.dev20260713+nightly
codegen_flags: <defaults>
</compile_context>

<pallas_src>
import functools

import jax
import jax.numpy as jnp
from jax import lax
from jax.experimental import pallas as pl
from jax.experimental.pallas import tpu as pltpu
import jax.experimental.pallas.tpu_sc as plsc

N_CAT = 1_000_000

ROWS, COLS = 7840, 128
BLK_ROWS = 1568
GRID = ROWS // BLK_ROWS

NW = 32
CHUNK = 31256
STAGE_CHUNK = 31248


def _threefry_rounds(k0, k1, x0, x1):
    ks2 = k0 ^ k1 ^ jnp.uint32(0x1BD11BDA)
    x0 = x0 + k0
    x1 = x1 + k1
    ks = (k0, k1, ks2)
    rots = ((13, 15, 26, 6), (17, 29, 16, 24))
    for i in range(5):
        for r in rots[i % 2]:
            x0 = x0 + x1
            x1 = (x1 << jnp.uint32(r)) | (x1 >> jnp.uint32(32 - r))
            x1 = x1 ^ x0
        x0 = x0 + ks[(i + 1) % 3]
        x1 = x1 + ks[(i + 2) % 3] + jnp.uint32(i + 1)
    return x0, x1


def _tc_threefry_body(kd_ref, idx_ref):
    p = pl.program_id(0)
    k0, k1 = _threefry_rounds(kd_ref[0], kd_ref[1], jnp.uint32(0), jnp.uint32(1))

    row = lax.broadcasted_iota(jnp.uint32, (BLK_ROWS, COLS), 0)
    col = lax.broadcasted_iota(jnp.uint32, (BLK_ROWS, COLS), 1)
    base = (p * (BLK_ROWS * COLS)).astype(jnp.uint32)
    j = base + row * jnp.uint32(COLS) + col

    o0, o1 = _threefry_rounds(k0, k1, jnp.zeros_like(j), j)
    bits = o0 ^ o1

    a = (bits >> jnp.uint32(20)).astype(jnp.int32)
    b = (bits & jnp.uint32(0xFFFFF)).astype(jnp.int32)
    t = a * 48576 + b
    q = (t.astype(jnp.float32) * (1.0 / N_CAT)).astype(jnp.int32)
    r = t - q * N_CAT
    r = jnp.where(r < 0, r + N_CAT, r)
    r = jnp.where(r >= N_CAT, r - N_CAT, r)
    idx_ref[...] = r


def _tc_threefry(kd):
    return pl.pallas_call(
        _tc_threefry_body,
        grid=(GRID,),
        in_specs=[pl.BlockSpec(memory_space=pltpu.SMEM)],
        out_specs=pl.BlockSpec((BLK_ROWS, COLS), lambda p: (p, 0)),
        out_shape=jax.ShapeDtypeStruct((ROWS, COLS), jnp.int32),
    )(kd)


@functools.cache
def _sc_gather_fn():
    mesh = plsc.VectorSubcoreMesh(
        core_axis_name="c", subcore_axis_name="s", num_cores=2, num_subcores=16
    )

    @functools.partial(
        pl.kernel,
        out_type=jax.ShapeDtypeStruct((N_CAT,), jnp.float32),
        mesh=mesh,
        scratch_types=[
            pltpu.VMEM((CHUNK,), jnp.int32),
            pltpu.VMEM((CHUNK,), jnp.float32),
            pltpu.VMEM_SHARED((N_CAT,), jnp.float32),
            pltpu.SemaphoreType.DMA,
        ],
    )
    def _sc_gather(table_hbm, idx_hbm, out_hbm, idx_v, rows_v, table_sp, sem):
        cid = lax.axis_index("c")
        sid = lax.axis_index("s")
        wid = sid * 2 + cid
        base = jnp.minimum(wid * CHUNK, N_CAT - CHUNK)
        base = pl.multiple_of(base, 8)
        pltpu.sync_copy(idx_hbm.at[pl.ds(base, CHUNK)], idx_v)
        for rnd in range(2):
            off = sid * (2 * STAGE_CHUNK) + rnd * STAGE_CHUNK
            off = pl.multiple_of(off, 8)
            pltpu.sync_copy(
                table_hbm.at[pl.ds(off, STAGE_CHUNK)],
                rows_v.at[pl.ds(0, STAGE_CHUNK)],
            )
            pltpu.sync_copy(
                rows_v.at[pl.ds(0, STAGE_CHUNK)],
                table_sp.at[pl.ds(off, STAGE_CHUNK)],
            )

        @pl.when(sid == 0)
        def _tail():
            tail_off = 16 * 2 * STAGE_CHUNK
            tail_n = N_CAT - 16 * 2 * STAGE_CHUNK
            pltpu.sync_copy(
                table_hbm.at[pl.ds(tail_off, tail_n)],
                rows_v.at[pl.ds(0, tail_n)],
            )
            pltpu.sync_copy(
                rows_v.at[pl.ds(0, tail_n)],
                table_sp.at[pl.ds(tail_off, tail_n)],
            )

        plsc.subcore_barrier()
        pltpu.async_copy(table_sp.at[idx_v], rows_v, sem).wait()
        pltpu.sync_copy(rows_v, out_hbm.at[pl.ds(base, CHUNK)])

    return _sc_gather


def kernel(key, categories):
    kd = jax.random.key_data(key).astype(jnp.uint32)
    idx = _tc_threefry(kd).reshape(-1)
    return _sc_gather_fn()(categories, idx)

# --- scband reference (transcript-rebuilt; emitter-appended) ---
"""Pipeline reference for scband-discrete-24137716204129 (READ-ONLY COPY).

The authoritative reference and input builder live on the scoring server;
editing this copy changes nothing except your own understanding.
"""

import jax, jax.numpy as jnp
import numpy as np

N_CATEGORIES = 1000000


def setup_inputs(seed: int = 0) -> dict:
    key = jax.random.key(seed)
    # Learned/constructed parameter per init_kwargs: categories = jnp.linspace(*act_range)
    categories = jnp.linspace(0.0, 1.0, N_CATEGORIES).astype(jnp.float32)
    sample_key = jax.random.fold_in(key, 1)
    return {"key": sample_key, "categories": categories}


def reference(key, categories):
    # Faithful translation of Discrete.sample:
    #   jrandom.choice(key, self.categories, shape=self.categories.shape)
    # uniform index sampling + gather from the category table
    return jax.random.choice(key, categories, shape=categories.shape)

if __name__ == "__main__":
    import jax
    _d = setup_inputs()
    print(jax.jit(kernel)(*tuple(_d.values())))

</pallas_src>

<mosaic_0001>
#map = affine_map<(d0, d1) -> (0)>
module attributes {stable_mosaic.version = 14 : i64} {
  func.func @_sc_gather(%arg0: i32, %arg1: i32, %arg2: memref<1000000xf32, #tpu.memory_space<hbm>>, %arg3: memref<1003520xi32, #tpu.memory_space<hbm>>, %arg4: memref<1000000xf32, #tpu.memory_space<hbm>>, %arg5: memref<31256xi32, #tpu.memory_space<vmem>>, %arg6: memref<31256xf32, #tpu.memory_space<vmem>>, %arg7: memref<1000000xf32, #tpu.memory_space<vmem_shared>>, %arg8: memref<!tpu.dma_semaphore, #tpu.memory_space<semaphore_mem>>) attributes {dimension_semantics = [#tpu.dimension_semantics<core_parallel>, #tpu.dimension_semantics<subcore_parallel>], iteration_bounds = array<i64: 2, 16>, scalar_prefetch = 0 : i64, scratch_operands = 4 : i64, tpu.core_type = #tpu.core_type<sc_vector_subcore>, window_params = [{transform_indices = #map}, {transform_indices = #map}, {transform_indices = #map}]} {
    %mul3A = arith.constant 2 : i32
    %mul3A_0 = arith.muli %arg1, %mul3A : i32
    %add3A = arith.addi %mul3A_0, %arg0 : i32
    %mul3A_1 = arith.constant 31256 : i32
    %mul3A_2 = arith.muli %add3A, %mul3A_1 : i32
    %min3A = arith.constant 968744 : i32
    %min3A_3 = arith.minsi %mul3A_2, %min3A : i32
    %multiple_of3A = tpu.assume_multiple %min3A_3, 8 : i32
    "tpu.region"() ({
      %run_scoped3A = tpu.sem_alloc : memref<!tpu.dma_semaphore, #tpu.memory_space<semaphore_mem>>
      %dma_start3A_18 = tpu.memref_slice %arg3[%multiple_of3A] : memref<1003520xi32, #tpu.memory_space<hbm>> -> memref<31256xi32, #tpu.memory_space<hbm>>
      %dma_start3A_19 = tpu.memref_slice %arg3[%multiple_of3A] : memref<1003520xi32, #tpu.memory_space<hbm>> -> memref<31256xi32, #tpu.memory_space<hbm>>
      tpu.enqueue_dma source(%dma_start3A_19 : memref<31256xi32, #tpu.memory_space<hbm>>) target(%arg5 : memref<31256xi32, #tpu.memory_space<vmem>>) target_semaphore(%run_scoped3A : memref<!tpu.dma_semaphore, #tpu.memory_space<semaphore_mem>>)
      %dma_wait3A_20 = tpu.memref_slice %arg3[%multiple_of3A] : memref<1003520xi32, #tpu.memory_space<hbm>> -> memref<31256xi32, #tpu.memory_space<hbm>>
      %dma_wait3A_21 = tpu.memref_slice %arg3[%multiple_of3A] : memref<1003520xi32, #tpu.memory_space<hbm>> -> memref<31256xi32, #tpu.memory_space<hbm>>
      tpu.wait_dma2 semaphore(%run_scoped3A : memref<!tpu.dma_semaphore, #tpu.memory_space<semaphore_mem>>) src(%dma_wait3A_21 : memref<31256xi32, #tpu.memory_space<hbm>>) dst(%arg5 : memref<31256xi32, #tpu.memory_space<vmem>>)
      tpu.yield
    }) : () -> ()
    %mul3A_4 = arith.constant 62496 : i32
    %mul3A_5 = arith.muli %arg1, %mul3A_4 : i32
    %add3A_6 = arith.constant 0 : i32
    %add3A_7 = arith.addi %mul3A_5, %add3A_6 : i32
    %multiple_of3A_8 = tpu.assume_multiple %add3A_7, 8 : i32
    "tpu.region"() ({
      %run_scoped3A = tpu.sem_alloc : memref<!tpu.dma_semaphore, #tpu.memory_space<semaphore_mem>>
      %dma_start3A_18 = arith.constant 0 : i32
      %dma_start3A_19 = tpu.memref_slice %arg6[%dma_start3A_18] : memref<31256xf32, #tpu.memory_space<vmem>> -> memref<31248xf32, #tpu.memory_space<vmem>>
      %dma_start3A_20 = tpu.memref_slice %arg2[%multiple_of3A_8] : memref<1000000xf32, #tpu.memory_space<hbm>> -> memref<31248xf32, #tpu.memory_space<hbm>>
      %dma_start3A_21 = arith.constant 0 : i32
      %dma_start3A_22 = tpu.memref_slice %arg6[%dma_start3A_21] : memref<31256xf32, #tpu.memory_space<vmem>> -> memref<31248xf32, #tpu.memory_space<vmem>>
      %dma_start3A_23 = tpu.memref_slice %arg2[%multiple_of3A_8] : memref<1000000xf32, #tpu.memory_space<hbm>> -> memref<31248xf32, #tpu.memory_space<hbm>>
      tpu.enqueue_dma source(%dma_start3A_23 : memref<31248xf32, #tpu.memory_space<hbm>>) target(%dma_start3A_22 : memref<31248xf32, #tpu.memory_space<vmem>>) target_semaphore(%run_scoped3A : memref<!tpu.dma_semaphore, #tpu.memory_space<semaphore_mem>>)
      %dma_wait3A_24 = arith.constant 0 : i32
      %dma_wait3A_25 = tpu.memref_slice %arg6[%dma_wait3A_24] : memref<31256xf32, #tpu.memory_space<vmem>> -> memref<31248xf32, #tpu.memory_space<vmem>>
      %dma_wait3A_26 = tpu.memref_slice %arg2[%multiple_of3A_8] : memref<1000000xf32, #tpu.memory_space<hbm>> -> memref<31248xf32, #tpu.memory_space<hbm>>
      %dma_wait3A_27 = arith.constant 0 : i32
      %dma_wait3A_28 = tpu.memref_slice %arg6[%dma_wait3A_27] : memref<31256xf32, #tpu.memory_space<vmem>> -> memref<31248xf32, #tpu.memory_space<vmem>>
      %dma_wait3A_29 = tpu.memref_slice %arg2[%multiple_of3A_8] : memref<1000000xf32, #tpu.memory_space<hbm>> -> memref<31248xf32, #tpu.memory_space<hbm>>
      tpu.wait_dma2 semaphore(%run_scoped3A : memref<!tpu.dma_semaphore, #tpu.memory_space<semaphore_mem>>) src(%dma_wait3A_29 : memref<31248xf32, #tpu.memory_space<hbm>>) dst(%dma_wait3A_28 : memref<31248xf32, #tpu.memory_space<vmem>>)
      tpu.yield
    }) : () -> ()
    "tpu.region"() ({
      %run_scoped3A = tpu.sem_alloc : memref<!tpu.dma_semaphore, #tpu.memory_space<semaphore_mem>>
      %dma_start3A_18 = arith.constant 0 : i32
      %dma_start3A_19 = tpu.memref_slice %arg6[%dma_start3A_18] : memref<31256xf32, #tpu.memory_space<vmem>> -> memref<31248xf32, #tpu.memory_space<vmem>>
      %dma_start3A_20 = tpu.memref_slice %arg7[%multiple_of3A_8] : memref<1000000xf32, #tpu.memory_space<vmem_shared>> -> memref<31248xf32, #tpu.memory_space<vmem_shared>>
      %dma_start3A_21 = tpu.memref_slice %arg7[%multiple_of3A_8] : memref<1000000xf32, #tpu.memory_space<vmem_shared>> -> memref<31248xf32, #tpu.memory_space<vmem_shared>>
      %dma_start3A_22 = arith.constant 0 : i32
      %dma_start3A_23 = tpu.memref_slice %arg6[%dma_start3A_22] : memref<31256xf32, #tpu.memory_space<vmem>> -> memref<31248xf32, #tpu.memory_space<vmem>>
      tpu.enqueue_dma source(%dma_start3A_23 : memref<31248xf32, #tpu.memory_space<vmem>>) target(%dma_start3A_21 : memref<31248xf32, #tpu.memory_space<vmem_shared>>) target_semaphore(%run_scoped3A : memref<!tpu.dma_semaphore, #tpu.memory_space<semaphore_mem>>)
      %dma_wait3A_24 = arith.constant 0 : i32
      %dma_wait3A_25 = tpu.memref_slice %arg6[%dma_wait3A_24] : memref<31256xf32, #tpu.memory_space<vmem>> -> memref<31248xf32, #tpu.memory_space<vmem>>
      %dma_wait3A_26 = tpu.memref_slice %arg7[%multiple_of3A_8] : memref<1000000xf32, #tpu.memory_space<vmem_shared>> -> memref<31248xf32, #tpu.memory_space<vmem_shared>>
      %dma_wait3A_27 = tpu.memref_slice %arg7[%multiple_of3A_8] : memref<1000000xf32, #tpu.memory_space<vmem_shared>> -> memref<31248xf32, #tpu.memory_space<vmem_shared>>
      %dma_wait3A_28 = arith.constant 0 : i32
      %dma_wait3A_29 = tpu.memref_slice %arg6[%dma_wait3A_28] : memref<31256xf32, #tpu.memory_space<vmem>> -> memref<31248xf32, #tpu.memory_space<vmem>>
      tpu.wait_dma2 semaphore(%run_scoped3A : memref<!tpu.dma_semaphore, #tpu.memory_space<semaphore_mem>>) src(%dma_wait3A_29 : memref<31248xf32, #tpu.memory_space<vmem>>) dst(%dma_wait3A_27 : memref<31248xf32, #tpu.memory_space<vmem_shared>>)
      tpu.yield
    }) : () -> ()
    %mul3A_9 = arith.constant 62496 : i32
    %mul3A_10 = arith.muli %arg1, %mul3A_9 : i32
    %add3A_11 = arith.constant 31248 : i32
    %add3A_12 = arith.addi %mul3A_10, %add3A_11 : i32
    %multiple_of3A_13 = tpu.assume_multiple %add3A_12, 8 : i32
    "tpu.region"() ({
      %run_scoped3A = tpu.sem_alloc : memref<!tpu.dma_semaphore, #tpu.memory_space<semaphore_mem>>
      %dma_start3A_18 = arith.constant 0 : i32
      %dma_start3A_19 = tpu.memref_slice %arg6[%dma_start3A_18] : memref<31256xf32, #tpu.memory_space<vmem>> -> memref<31248xf32, #tpu.memory_space<vmem>>
      %dma_start3A_20 = tpu.memref_slice %arg2[%multiple_of3A_13] : memref<1000000xf32, #tpu.memory_space<hbm>> -> memref<31248xf32, #tpu.memory_space<hbm>>
      %dma_start3A_21 = arith.constant 0 : i32
      %dma_start3A_22 = tpu.memref_slice %arg6[%dma_start3A_21] : memref<31256xf32, #tpu.memory_space<vmem>> -> memref<31248xf32, #tpu.memory_space<vmem>>
      %dma_start3A_23 = tpu.memref_slice %arg2[%multiple_of3A_13] : memref<1000000xf32, #tpu.memory_space<hbm>> -> memref<31248xf32, #tpu.memory_space<hbm>>
      tpu.enqueue_dma source(%dma_start3A_23 : memref<31248xf32, #tpu.memory_space<hbm>>) target(%dma_start3A_22 : memref<31248xf32, #tpu.memory_space<vmem>>) target_semaphore(%run_scoped3A : memref<!tpu.dma_semaphore, #tpu.memory_space<semaphore_mem>>)
      %dma_wait3A_24 = arith.constant 0 : i32
      %dma_wait3A_25 = tpu.memref_slice %arg6[%dma_wait3A_24] : memref<31256xf32, #tpu.memory_space<vmem>> -> memref<31248xf32, #tpu.memory_space<vmem>>
      %dma_wait3A_26 = tpu.memref_slice %arg2[%multiple_of3A_13] : memref<1000000xf32, #tpu.memory_space<hbm>> -> memref<31248xf32, #tpu.memory_space<hbm>>
      %dma_wait3A_27 = arith.constant 0 : i32
      %dma_wait3A_28 = tpu.memref_slice %arg6[%dma_wait3A_27] : memref<31256xf32, #tpu.memory_space<vmem>> -> memref<31248xf32, #tpu.memory_space<vmem>>
      %dma_wait3A_29 = tpu.memref_slice %arg2[%multiple_of3A_13] : memref<1000000xf32, #tpu.memory_space<hbm>> -> memref<31248xf32, #tpu.memory_space<hbm>>
      tpu.wait_dma2 semaphore(%run_scoped3A : memref<!tpu.dma_semaphore, #tpu.memory_space<semaphore_mem>>) src(%dma_wait3A_29 : memref<31248xf32, #tpu.memory_space<hbm>>) dst(%dma_wait3A_28 : memref<31248xf32, #tpu.memory_space<vmem>>)
      tpu.yield
    }) : () -> ()
    "tpu.region"() ({
      %run_scoped3A = tpu.sem_alloc : memref<!tpu.dma_semaphore, #tpu.memory_space<semaphore_mem>>
      %dma_start3A_18 = arith.constant 0 : i32
      %dma_start3A_19 = tpu.memref_slice %arg6[%dma_start3A_18] : memref<31256xf32, #tpu.memory_space<vmem>> -> memref<31248xf32, #tpu.memory_space<vmem>>
      %dma_start3A_20 = tpu.memref_slice %arg7[%multiple_of3A_13] : memref<1000000xf32, #tpu.memory_space<vmem_shared>> -> memref<31248xf32, #tpu.memory_space<vmem_shared>>
      %dma_start3A_21 = tpu.memref_slice %arg7[%multiple_of3A_13] : memref<1000000xf32, #tpu.memory_space<vmem_shared>> -> memref<31248xf32, #tpu.memory_space<vmem_shared>>
      %dma_start3A_22 = arith.constant 0 : i32
      %dma_start3A_23 = tpu.memref_slice %arg6[%dma_start3A_22] : memref<31256xf32, #tpu.memory_space<vmem>> -> memref<31248xf32, #tpu.memory_space<vmem>>
      tpu.enqueue_dma source(%dma_start3A_23 : memref<31248xf32, #tpu.memory_space<vmem>>) target(%dma_start3A_21 : memref<31248xf32, #tpu.memory_space<vmem_shared>>) target_semaphore(%run_scoped3A : memref<!tpu.dma_semaphore, #tpu.memory_space<semaphore_mem>>)
      %dma_wait3A_24 = arith.constant 0 : i32
      %dma_wait3A_25 = tpu.memref_slice %arg6[%dma_wait3A_24] : memref<31256xf32, #tpu.memory_space<vmem>> -> memref<31248xf32, #tpu.memory_space<vmem>>
      %dma_wait3A_26 = tpu.memref_slice %arg7[%multiple_of3A_13] : memref<1000000xf32, #tpu.memory_space<vmem_shared>> -> memref<31248xf32, #tpu.memory_space<vmem_shared>>
      %dma_wait3A_27 = tpu.memref_slice %arg7[%multiple_of3A_13] : memref<1000000xf32, #tpu.memory_space<vmem_shared>> -> memref<31248xf32, #tpu.memory_space<vmem_shared>>
      %dma_wait3A_28 = arith.constant 0 : i32
      %dma_wait3A_29 = tpu.memref_slice %arg6[%dma_wait3A_28] : memref<31256xf32, #tpu.memory_space<vmem>> -> memref<31248xf32, #tpu.memory_space<vmem>>
      tpu.wait_dma2 semaphore(%run_scoped3A : memref<!tpu.dma_semaphore, #tpu.memory_space<semaphore_mem>>) src(%dma_wait3A_29 : memref<31248xf32, #tpu.memory_space<vmem>>) dst(%dma_wait3A_27 : memref<31248xf32, #tpu.memory_space<vmem_shared>>)
      tpu.yield
    }) : () -> ()
    %eq3A = arith.constant 0 : i32
    %eq3A_14 = arith.cmpi eq, %arg1, %eq3A : i32
    %convert_element_type3A = arith.extui %eq3A_14 : i1 to i32
    %cond3A = arith.constant 0 : i32
    %cond3A_15 = arith.cmpi ne, %convert_element_type3A, %cond3A : i32
    scf.if %cond3A_15 {
      "tpu.region"() ({
        %run_scoped3A = tpu.sem_alloc : memref<!tpu.dma_semaphore, #tpu.memory_space<semaphore_mem>>
        %dma_start3A_18 = arith.constant 0 : i32
        %dma_start3A_19 = tpu.memref_slice %arg6[%dma_start3A_18] : memref<31256xf32, #tpu.memory_space<vmem>> -> memref<64xf32, #tpu.memory_space<vmem>>
        %dma_start3A_20 = arith.constant 999936 : i32
        %dma_start3A_21 = tpu.memref_slice %arg2[%dma_start3A_20] : memref<1000000xf32, #tpu.memory_space<hbm>> -> memref<64xf32, #tpu.memory_space<hbm>>
        %dma_start3A_22 = arith.constant 0 : i32
        %dma_start3A_23 = tpu.memref_slice %arg6[%dma_start3A_22] : memref<31256xf32, #tpu.memory_space<vmem>> -> memref<64xf32, #tpu.memory_space<vmem>>
        %dma_start3A_24 = arith.constant 999936 : i32
        %dma_start3A_25 = tpu.memref_slice %arg2[%dma_start3A_24] : memref<1000000xf32, #tpu.memory_space<hbm>> -> memref<64xf32, #tpu.memory_space<hbm>>
        tpu.enqueue_dma source(%dma_start3A_25 : memref<64xf32, #tpu.memory_space<hbm>>) target(%dma_start3A_23 : memref<64xf32, #tpu.memory_space<vmem>>) target_semaphore(%run_scoped3A : memref<!tpu.dma_semaphore, #tpu.memory_space<semaphore_mem>>)
        %dma_wait3A_26 = arith.constant 0 : i32
        %dma_wait3A_27 = tpu.memref_slice %arg6[%dma_wait3A_26] : memref<31256xf32, #tpu.memory_space<vmem>> -> memref<64xf32, #tpu.memory_space<vmem>>
        %dma_wait3A_28 = arith.constant 999936 : i32
        %dma_wait3A_29 = tpu.memref_slice %arg2[%dma_wait3A_28] : memref<1000000xf32, #tpu.memory_space<hbm>> -> memref<64xf32, #tpu.memory_space<hbm>>
        %dma_wait3A_30 = arith.constant 0 : i32
        %dma_wait3A_31 = tpu.memref_slice %arg6[%dma_wait3A_30] : memref<31256xf32, #tpu.memory_space<vmem>> -> memref<64xf32, #tpu.memory_space<vmem>>
        %dma_wait3A_32 = arith.constant 999936 : i32
        %dma_wait3A_33 = tpu.memref_slice %arg2[%dma_wait3A_32] : memref<1000000xf32, #tpu.memory_space<hbm>> -> memref<64xf32, #tpu.memory_space<hbm>>
        tpu.wait_dma2 semaphore(%run_scoped3A : memref<!tpu.dma_semaphore, #tpu.memory_space<semaphore_mem>>) src(%dma_wait3A_33 : memref<64xf32, #tpu.memory_space<hbm>>) dst(%dma_wait3A_31 : memref<64xf32, #tpu.memory_space<vmem>>)
        tpu.yield
      }) : () -> ()
      "tpu.region"() ({
        %run_scoped3A = tpu.sem_alloc : memref<!tpu.dma_semaphore, #tpu.memory_space<semaphore_mem>>
        %dma_start3A_18 = arith.constant 0 : i32
        %dma_start3A_19 = tpu.memref_slice %arg6[%dma_start3A_18] : memref<31256xf32, #tpu.memory_space<vmem>> -> memref<64xf32, #tpu.memory_space<vmem>>
        %dma_start3A_20 = arith.constant 999936 : i32
        %dma_start3A_21 = tpu.memref_slice %arg7[%dma_start3A_20] : memref<1000000xf32, #tpu.memory_space<vmem_shared>> -> memref<64xf32, #tpu.memory_space<vmem_shared>>
        %dma_start3A_22 = arith.constant 999936 : i32
        %dma_start3A_23 = tpu.memref_slice %arg7[%dma_start3A_22] : memref<1000000xf32, #tpu.memory_space<vmem_shared>> -> memref<64xf32, #tpu.memory_space<vmem_shared>>
        %dma_start3A_24 = arith.constant 0 : i32
        %dma_start3A_25 = tpu.memref_slice %arg6[%dma_start3A_24] : memref<31256xf32, #tpu.memory_space<vmem>> -> memref<64xf32, #tpu.memory_space<vmem>>
        tpu.enqueue_dma source(%dma_start3A_25 : memref<64xf32, #tpu.memory_space<vmem>>) target(%dma_start3A_23 : memref<64xf32, #tpu.memory_space<vmem_shared>>) target_semaphore(%run_scoped3A : memref<!tpu.dma_semaphore, #tpu.memory_space<semaphore_mem>>)
        %dma_wait3A_26 = arith.constant 0 : i32
        %dma_wait3A_27 = tpu.memref_slice %arg6[%dma_wait3A_26] : memref<31256xf32, #tpu.memory_space<vmem>> -> memref<64xf32, #tpu.memory_space<vmem>>
        %dma_wait3A_28 = arith.constant 999936 : i32
        %dma_wait3A_29 = tpu.memref_slice %arg7[%dma_wait3A_28] : memref<1000000xf32, #tpu.memory_space<vmem_shared>> -> memref<64xf32, #tpu.memory_space<vmem_shared>>
        %dma_wait3A_30 = arith.constant 999936 : i32
        %dma_wait3A_31 = tpu.memref_slice %arg7[%dma_wait3A_30] : memref<1000000xf32, #tpu.memory_space<vmem_shared>> -> memref<64xf32, #tpu.memory_space<vmem_shared>>
        %dma_wait3A_32 = arith.constant 0 : i32
        %dma_wait3A_33 = tpu.memref_slice %arg6[%dma_wait3A_32] : memref<31256xf32, #tpu.memory_space<vmem>> -> memref<64xf32, #tpu.memory_space<vmem>>
        tpu.wait_dma2 semaphore(%run_scoped3A : memref<!tpu.dma_semaphore, #tpu.memory_space<semaphore_mem>>) src(%dma_wait3A_33 : memref<64xf32, #tpu.memory_space<vmem>>) dst(%dma_wait3A_31 : memref<64xf32, #tpu.memory_space<vmem_shared>>)
        tpu.yield
      }) : () -> ()
    } else {
    }
    %barrier3A = arith.constant 0 : index
    tpu.barrier barrier_id(%barrier3A)
    %dma_start3A = arith.constant 0 : i32
    %dma_start3A_16 = tpu.memref_slice %arg7[%dma_start3A] : memref<1000000xf32, #tpu.memory_space<vmem_shared>> -> memref<1000000xf32, #tpu.memory_space<vmem_shared>>
    tpu.enqueue_indirect_dma source(%dma_start3A_16 : memref<1000000xf32, #tpu.memory_space<vmem_shared>>) target(%arg6 : memref<31256xf32, #tpu.memory_space<vmem>>) offsets(%arg5 : memref<31256xi32, #tpu.memory_space<vmem>>) semaphore(%arg8 : memref<!tpu.dma_semaphore, #tpu.memory_space<semaphore_mem>>)
    %dma_wait3A = arith.constant 0 : i32
    %dma_wait3A_17 = tpu.memref_slice %arg7[%dma_wait3A] : memref<1000000xf32, #tpu.memory_space<vmem_shared>> -> memref<1000000xf32, #tpu.memory_space<vmem_shared>>
    tpu.wait_indirect_dma semaphore(%arg8 : memref<!tpu.dma_semaphore, #tpu.memory_space<semaphore_mem>>) src(%dma_wait3A_17 : memref<1000000xf32, #tpu.memory_space<vmem_shared>>) dst(%arg6 : memref<31256xf32, #tpu.memory_space<vmem>>)
    "tpu.region"() ({
      %run_scoped3A = tpu.sem_alloc : memref<!tpu.dma_semaphore, #tpu.memory_space<semaphore_mem>>
      %dma_start3A_18 = tpu.memref_slice %arg4[%multiple_of3A] : memref<1000000xf32, #tpu.memory_space<hbm>> -> memref<31256xf32, #tpu.memory_space<hbm>>
      %dma_start3A_19 = tpu.memref_slice %arg4[%multiple_of3A] : memref<1000000xf32, #tpu.memory_space<hbm>> -> memref<31256xf32, #tpu.memory_space<hbm>>
      tpu.enqueue_dma source(%arg6 : memref<31256xf32, #tpu.memory_space<vmem>>) target(%dma_start3A_19 : memref<31256xf32, #tpu.memory_space<hbm>>) target_semaphore(%run_scoped3A : memref<!tpu.dma_semaphore, #tpu.memory_space<semaphore_mem>>)
      %dma_wait3A_20 = tpu.memref_slice %arg4[%multiple_of3A] : memref<1000000xf32, #tpu.memory_space<hbm>> -> memref<31256xf32, #tpu.memory_space<hbm>>
      %dma_wait3A_21 = tpu.memref_slice %arg4[%multiple_of3A] : memref<1000000xf32, #tpu.memory_space<hbm>> -> memref<31256xf32, #tpu.memory_space<hbm>>
      tpu.wait_dma2 semaphore(%run_scoped3A : memref<!tpu.dma_semaphore, #tpu.memory_space<semaphore_mem>>) src(%arg6 : memref<31256xf32, #tpu.memory_space<vmem>>) dst(%dma_wait3A_21 : memref<31256xf32, #tpu.memory_space<hbm>>)
      tpu.yield
    }) : () -> ()
    return
  }
}

module attributes {stable_mosaic.version = 14 : i64} {
  func.func @_tc_threefry_body(%arg0: i32, %arg1: memref<2xi32, #tpu.memory_space<smem>>, %arg2: memref<1568x128xi32, #tpu.memory_space<vmem>>) attributes {dimension_semantics = [#tpu.dimension_semantics<arbitrary>], iteration_bounds = array<i64: 5>, scalar_prefetch = 0 : i64, scratch_operands = 0 : i64, tpu.core_type = #tpu.core_type<tc>, window_params = [{transform_indices = @transform_0, window_bounds = array<i64: 2>}, {transform_indices = @transform_1, window_bounds = array<i64: 1568, 128>}]} {
    %get3A = arith.constant 0 : index
    %get3A_0 = memref.load %arg1[%get3A] : memref<2xi32, #tpu.memory_space<smem>>
    %get3A_1 = arith.constant 1 : index
    %get3A_2 = memref.load %arg1[%get3A_1] : memref<2xi32, #tpu.memory_space<smem>>
    %xor3A = arith.xori %get3A_0, %get3A_2 : i32
    %xor3A_3 = arith.constant 466688986 : i32
    %xor3A_4 = arith.xori %xor3A, %xor3A_3 : i32
    %add3A = arith.constant 0 : i32
    %add3A_5 = arith.addi %add3A, %get3A_0 : i32
    %add3A_6 = arith.constant 1 : i32
    %add3A_7 = arith.addi %add3A_6, %get3A_2 : i32
    %add3A_8 = arith.addi %add3A_5, %add3A_7 : i32
    %shift_left3A = arith.constant 13 : i32
    %shift_left3A_9 = arith.shli %add3A_7, %shift_left3A : i32
    %shift_right_logical3A = arith.constant 19 : i32
    %shift_right_logical3A_10 = arith.shrui %add3A_7, %shift_right_logical3A : i32
    %or3A = arith.ori %shift_left3A_9, %shift_right_logical3A_10 : i32
    %xor3A_11 = arith.xori %or3A, %add3A_8 : i32
    %add3A_12 = arith.addi %add3A_8, %xor3A_11 : i32
    %shift_left3A_13 = arith.constant 15 : i32
    %shift_left3A_14 = arith.shli %xor3A_11, %shift_left3A_13 : i32
    %shift_right_logical3A_15 = arith.constant 17 : i32
    %shift_right_logical3A_16 = arith.shrui %xor3A_11, %shift_right_logical3A_15 : i32
    %or3A_17 = arith.ori %shift_left3A_14, %shift_right_logical3A_16 : i32
    %xor3A_18 = arith.xori %or3A_17, %add3A_12 : i32
    %add3A_19 = arith.addi %add3A_12, %xor3A_18 : i32
    %shift_left3A_20 = arith.constant 26 : i32
    %shift_left3A_21 = arith.shli %xor3A_18, %shift_left3A_20 : i32
    %shift_right_logical3A_22 = arith.constant 6 : i32
    %shift_right_logical3A_23 = arith.shrui %xor3A_18, %shift_right_logical3A_22 : i32
    %or3A_24 = arith.ori %shift_left3A_21, %shift_right_logical3A_23 : i32
    %xor3A_25 = arith.xori %or3A_24, %add3A_19 : i32
    %add3A_26 = arith.addi %add3A_19, %xor3A_25 : i32
    %shift_left3A_27 = arith.constant 6 : i32
    %shift_left3A_28 = arith.shli %xor3A_25, %shift_left3A_27 : i32
    %shift_right_logical3A_29 = arith.constant 26 : i32
    %shift_right_logical3A_30 = arith.shrui %xor3A_25, %shift_right_logical3A_29 : i32
    %or3A_31 = arith.ori %shift_left3A_28, %shift_right_logical3A_30 : i32
    %xor3A_32 = arith.xori %or3A_31, %add3A_26 : i32
    %add3A_33 = arith.addi %add3A_26, %get3A_2 : i32
    %add3A_34 = arith.addi %xor3A_32, %xor3A_4 : i32
    %add3A_35 = arith.constant 1 : i32
    %add3A_36 = arith.addi %add3A_34, %add3A_35 : i32
    %add3A_37 = arith.addi %add3A_33, %add3A_36 : i32
    %shift_left3A_38 = arith.constant 17 : i32
    %shift_left3A_39 = arith.shli %add3A_36, %shift_left3A_38 : i32
    %shift_right_logical3A_40 = arith.constant 15 : i32
    %shift_right_logical3A_41 = arith.shrui %add3A_36, %shift_right_logical3A_40 : i32
    %or3A_42 = arith.ori %shift_left3A_39, %shift_right_logical3A_41 : i32
    %xor3A_43 = arith.xori %or3A_42, %add3A_37 : i32
    %add3A_44 = arith.addi %add3A_37, %xor3A_43 : i32
    %shift_left3A_45 = arith.constant 29 : i32
    %shift_left3A_46 = arith.shli %xor3A_43, %shift_left3A_45 : i32
    %shift_right_logical3A_47 = arith.constant 3 : i32
    %shift_right_logical3A_48 = arith.shrui %xor3A_43, %shift_right_logical3A_47 : i32
    %or3A_49 = arith.ori %shift_left3A_46, %shift_right_logical3A_48 : i32
    %xor3A_50 = arith.xori %or3A_49, %add3A_44 : i32
    %add3A_51 = arith.addi %add3A_44, %xor3A_50 : i32
    %shift_left3A_52 = arith.constant 16 : i32
    %shift_left3A_53 = arith.shli %xor3A_50, %shift_left3A_52 : i32
    %shift_right_logical3A_54 = arith.constant 16 : i32
    %shift_right_logical3A_55 = arith.shrui %xor3A_50, %shift_right_logical3A_54 : i32
    %or3A_56 = arith.ori %shift_left3A_53, %shift_right_logical3A_55 : i32
    %xor3A_57 = arith.xori %or3A_56, %add3A_51 : i32
    %add3A_58 = arith.addi %add3A_51, %xor3A_57 : i32
    %shift_left3A_59 = arith.constant 24 : i32
    %shift_left3A_60 = arith.shli %xor3A_57, %shift_left3A_59 : i32
    %shift_right_logical3A_61 = arith.constant 8 : i32
    %shift_right_logical3A_62 = arith.shrui %xor3A_57, %shift_right_logical3A_61 : i32
    %or3A_63 = arith.ori %shift_left3A_60, %shift_right_logical3A_62 : i32
    %xor3A_64 = arith.xori %or3A_63, %add3A_58 : i32
    %add3A_65 = arith.addi %add3A_58, %xor3A_4 : i32
    %add3A_66 = arith.addi %xor3A_64, %get3A_0 : i32
    %add3A_67 = arith.constant 2 : i32
    %add3A_68 = arith.addi %add3A_66, %add3A_67 : i32
    %add3A_69 = arith.addi %add3A_65, %add3A_68 : i32
    %shift_left3A_70 = arith.constant 13 : i32
    %shift_left3A_71 = arith.shli %add3A_68, %shift_left3A_70 : i32
    %shift_right_logical3A_72 = arith.constant 19 : i32
    %shift_right_logical3A_73 = arith.shrui %add3A_68, %shift_right_logical3A_72 : i32
    %or3A_74 = arith.ori %shift_left3A_71, %shift_right_logical3A_73 : i32
    %xor3A_75 = arith.xori %or3A_74, %add3A_69 : i32
    %add3A_76 = arith.addi %add3A_69, %xor3A_75 : i32
    %shift_left3A_77 = arith.constant 15 : i32
    %shift_left3A_78 = arith.shli %xor3A_75, %shift_left3A_77 : i32
    %shift_right_logical3A_79 = arith.constant 17 : i32
    %shift_right_logical3A_80 = arith.shrui %xor3A_75, %shift_right_logical3A_79 : i32
    %or3A_81 = arith.ori %shift_left3A_78, %shift_right_logical3A_80 : i32
    %xor3A_82 = arith.xori %or3A_81, %add3A_76 : i32
    %add3A_83 = arith.addi %add3A_76, %xor3A_82 : i32
    %shift_left3A_84 = arith.constant 26 : i32
    %shift_left3A_85 = arith.shli %xor3A_82, %shift_left3A_84 : i32
    %shift_right_logical3A_86 = arith.constant 6 : i32
    %shift_right_logical3A_87 = arith.shrui %xor3A_82, %shift_right_logical3A_86 : i32
    %or3A_88 = arith.ori %shift_left3A_85, %shift_right_logical3A_87 : i32
    %xor3A_89 = arith.xori %or3A_88, %add3A_83 : i32
    %add3A_90 = arith.addi %add3A_83, %xor3A_89 : i32
    %shift_left3A_91 = arith.constant 6 : i32
    %shift_left3A_92 = arith.shli %xor3A_89, %shift_left3A_91 : i32
    %shift_right_logical3A_93 = arith.constant 26 : i32
    %shift_right_logical3A_94 = arith.shrui %xor3A_89, %shift_right_logical3A_93 : i32
    %or3A_95 = arith.ori %shift_left3A_92, %shift_right_logical3A_94 : i32
    %xor3A_96 = arith.xori %or3A_95, %add3A_90 : i32
    %add3A_97 = arith.addi %add3A_90, %get3A_0 : i32
    %add3A_98 = arith.addi %xor3A_96, %get3A_2 : i32
    %add3A_99 = arith.constant 3 : i32
    %add3A_100 = arith.addi %add3A_98, %add3A_99 : i32
    %add3A_101 = arith.addi %add3A_97, %add3A_100 : i32
    %shift_left3A_102 = arith.constant 17 : i32
    %shift_left3A_103 = arith.shli %add3A_100, %shift_left3A_102 : i32
    %shift_right_logical3A_104 = arith.constant 15 : i32
    %shift_right_logical3A_105 = arith.shrui %add3A_100, %shift_right_logical3A_104 : i32
    %or3A_106 = arith.ori %shift_left3A_103, %shift_right_logical3A_105 : i32
    %xor3A_107 = arith.xori %or3A_106, %add3A_101 : i32
    %add3A_108 = arith.addi %add3A_101, %xor3A_107 : i32
    %shift_left3A_109 = arith.constant 29 : i32
    %shift_left3A_110 = arith.shli %xor3A_107, %shift_left3A_109 : i32
    %shift_right_logical3A_111 = arith.constant 3 : i32
    %shift_right_logical3A_112 = arith.shrui %xor3A_107, %shift_right_logical3A_111 : i32
    %or3A_113 = arith.ori %shift_left3A_110, %shift_right_logical3A_112 : i32
    %xor3A_114 = arith.xori %or3A_113, %add3A_108 : i32
    %add3A_115 = arith.addi %add3A_108, %xor3A_114 : i32
    %shift_left3A_116 = arith.constant 16 : i32
    %shift_left3A_117 = arith.shli %xor3A_114, %shift_left3A_116 : i32
    %shift_right_logical3A_118 = arith.constant 16 : i32
    %shift_right_logical3A_119 = arith.shrui %xor3A_114, %shift_right_logical3A_118 : i32
    %or3A_120 = arith.ori %shift_left3A_117, %shift_right_logical3A_119 : i32
    %xor3A_121 = arith.xori %or3A_120, %add3A_115 : i32
    %add3A_122 = arith.addi %add3A_115, %xor3A_121 : i32
    %shift_left3A_123 = arith.constant 24 : i32
    %shift_left3A_124 = arith.shli %xor3A_121, %shift_left3A_123 : i32
    %shift_right_logical3A_125 = arith.constant 8 : i32
    %shift_right_logical3A_126 = arith.shrui %xor3A_121, %shift_right_logical3A_125 : i32
    %or3A_127 = arith.ori %shift_left3A_124, %shift_right_logical3A_126 : i32
    %xor3A_128 = arith.xori %or3A_127, %add3A_122 : i32
    %add3A_129 = arith.addi %add3A_122, %get3A_2 : i32
    %add3A_130 = arith.addi %xor3A_128, %xor3A_4 : i32
    %add3A_131 = arith.constant 4 : i32
    %add3A_132 = arith.addi %add3A_130, %add3A_131 : i32
    %add3A_133 = arith.addi %add3A_129, %add3A_132 : i32
    %shift_left3A_134 = arith.constant 13 : i32
    %shift_left3A_135 = arith.shli %add3A_132, %shift_left3A_134 : i32
    %shift_right_logical3A_136 = arith.constant 19 : i32
    %shift_right_logical3A_137 = arith.shrui %add3A_132, %shift_right_logical3A_136 : i32
    %or3A_138 = arith.ori %shift_left3A_135, %shift_right_logical3A_137 : i32
    %xor3A_139 = arith.xori %or3A_138, %add3A_133 : i32
    %add3A_140 = arith.addi %add3A_133, %xor3A_139 : i32
    %shift_left3A_141 = arith.constant 15 : i32
    %shift_left3A_142 = arith.shli %xor3A_139, %shift_left3A_141 : i32
    %shift_right_logical3A_143 = arith.constant 17 : i32
    %shift_right_logical3A_144 = arith.shrui %xor3A_139, %shift_right_logical3A_143 : i32
    %or3A_145 = arith.ori %shift_left3A_142, %shift_right_logical3A_144 : i32
    %xor3A_146 = arith.xori %or3A_145, %add3A_140 : i32
    %add3A_147 = arith.addi %add3A_140, %xor3A_146 : i32
    %shift_left3A_148 = arith.constant 26 : i32
    %shift_left3A_149 = arith.shli %xor3A_146, %shift_left3A_148 : i32
    %shift_right_logical3A_150 = arith.constant 6 : i32
    %shift_right_logical3A_151 = arith.shrui %xor3A_146, %shift_right_logical3A_150 : i32
    %or3A_152 = arith.ori %shift_left3A_149, %shift_right_logical3A_151 : i32
    %xor3A_153 = arith.xori %or3A_152, %add3A_147 : i32
    %add3A_154 = arith.addi %add3A_147, %xor3A_153 : i32
    %shift_left3A_155 = arith.constant 6 : i32
    %shift_left3A_156 = arith.shli %xor3A_153, %shift_left3A_155 : i32
    %shift_right_logical3A_157 = arith.constant 26 : i32
    %shift_right_logical3A_158 = arith.shrui %xor3A_153, %shift_right_logical3A_157 : i32
    %or3A_159 = arith.ori %shift_left3A_156, %shift_right_logical3A_158 : i32
    %xor3A_160 = arith.xori %or3A_159, %add3A_154 : i32
    %add3A_161 = arith.addi %add3A_154, %xor3A_4 : i32
    %add3A_162 = arith.addi %xor3A_160, %get3A_0 : i32
    %add3A_163 = arith.constant 5 : i32
    %add3A_164 = arith.addi %add3A_162, %add3A_163 : i32
    %iota3A = tpu.iota {dimensions = array<i32: 0>} : vector<1568x128xi32>
    %iota3A_165 = tpu.iota {dimensions = array<i32: 1>} : vector<1568x128xi32>
    %mul3A = arith.constant 200704 : i32
    %mul3A_166 = arith.muli %arg0, %mul3A : i32
    %mul3A_167 = arith.constant 128 : i32
    %mul3A_168 = vector.broadcast %mul3A_167 : i32 to vector<1568x128xi32>
    %mul3A_169 = arith.muli %iota3A, %mul3A_168 : vector<1568x128xi32>
    %add3A_170 = vector.broadcast %mul3A_166 : i32 to vector<1568x128xi32>
    %add3A_171 = arith.addi %add3A_170, %mul3A_169 : vector<1568x128xi32>
    %add3A_172 = arith.addi %add3A_171, %iota3A_165 : vector<1568x128xi32>
    %broadcast_in_dim3A = arith.constant 0 : i32
    %broadcast_in_dim3A_173 = vector.broadcast %broadcast_in_dim3A : i32 to vector<1568x128xi32>
    %xor3A_174 = arith.xori %add3A_161, %add3A_164 : i32
    %xor3A_175 = arith.constant 466688986 : i32
    %xor3A_176 = arith.xori %xor3A_174, %xor3A_175 : i32
    %add3A_177 = vector.broadcast %add3A_161 : i32 to vector<1568x128xi32>
    %add3A_178 = arith.addi %broadcast_in_dim3A_173, %add3A_177 : vector<1568x128xi32>
    %add3A_179 = vector.broadcast %add3A_164 : i32 to vector<1568x128xi32>
    %add3A_180 = arith.addi %add3A_172, %add3A_179 : vector<1568x128xi32>
    %add3A_181 = arith.addi %add3A_178, %add3A_180 : vector<1568x128xi32>
    %shift_left3A_182 = arith.constant 13 : i32
    %shift_left3A_183 = vector.broadcast %shift_left3A_182 : i32 to vector<1568x128xi32>
    %shift_left3A_184 = arith.shli %add3A_180, %shift_left3A_183 : vector<1568x128xi32>
    %shift_right_logical3A_185 = arith.constant 19 : i32
    %shift_right_logical3A_186 = vector.broadcast %shift_right_logical3A_185 : i32 to vector<1568x128xi32>
    %shift_right_logical3A_187 = arith.shrui %add3A_180, %shift_right_logical3A_186 : vector<1568x128xi32>
    %or3A_188 = arith.ori %shift_left3A_184, %shift_right_logical3A_187 : vector<1568x128xi32>
    %xor3A_189 = arith.xori %or3A_188, %add3A_181 : vector<1568x128xi32>
    %add3A_190 = arith.addi %add3A_181, %xor3A_189 : vector<1568x128xi32>
    %shift_left3A_191 = arith.constant 15 : i32
    %shift_left3A_192 = vector.broadcast %shift_left3A_191 : i32 to vector<1568x128xi32>
    %shift_left3A_193 = arith.shli %xor3A_189, %shift_left3A_192 : vector<1568x128xi32>
    %shift_right_logical3A_194 = arith.constant 17 : i32
    %shift_right_logical3A_195 = vector.broadcast %shift_right_logical3A_194 : i32 to vector<1568x128xi32>
    %shift_right_logical3A_196 = arith.shrui %xor3A_189, %shift_right_logical3A_195 : vector<1568x128xi32>
    %or3A_197 = arith.ori %shift_left3A_193, %shift_right_logical3A_196 : vector<1568x128xi32>
    %xor3A_198 = arith.xori %or3A_197, %add3A_190 : vector<1568x128xi32>
    %add3A_199 = arith.addi %add3A_190, %xor3A_198 : vector<1568x128xi32>
    %shift_left3A_200 = arith.constant 26 : i32
    %shift_left3A_201 = vector.broadcast %shift_left3A_200 : i32 to vector<1568x128xi32>
    %shift_left3A_202 = arith.shli %xor3A_198, %shift_left3A_201 : vector<1568x128xi32>
    %shift_right_logical3A_203 = arith.constant 6 : i32
    %shift_right_logical3A_204 = vector.broadcast %shift_right_logical3A_203 : i32 to vector<1568x128xi32>
    %shift_right_logical3A_205 = arith.shrui %xor3A_198, %shift_right_logical3A_204 : vector<1568x128xi32>
    %or3A_206 = arith.ori %shift_left3A_202, %shift_right_logical3A_205 : vector<1568x128xi32>
    %xor3A_207 = arith.xori %or3A_206, %add3A_199 : vector<1568x128xi32>
    %add3A_208 = arith.addi %add3A_199, %xor3A_207 : vector<1568x128xi32>
    %shift_left3A_209 = arith.constant 6 : i32
    %shift_left3A_210 = vector.broadcast %shift_left3A_209 : i32 to vector<1568x128xi32>
    %shift_left3A_211 = arith.shli %xor3A_207, %shift_left3A_210 : vector<1568x128xi32>
    %shift_right_logical3A_212 = arith.constant 26 : i32
    %shift_right_logical3A_213 = vector.broadcast %shift_right_logical3A_212 : i32 to vector<1568x128xi32>
    %shift_right_logical3A_214 = arith.shrui %xor3A_207, %shift_right_logical3A_213 : vector<1568x128xi32>
    %or3A_215 = arith.ori %shift_left3A_211, %shift_right_logical3A_214 : vector<1568x128xi32>
    %xor3A_216 = arith.xori %or3A_215, %add3A_208 : vector<1568x128xi32>
    %add3A_217 = vector.broadcast %add3A_164 : i32 to vector<1568x128xi32>
    %add3A_218 = arith.addi %add3A_208, %add3A_217 : vector<1568x128xi32>
    %add3A_219 = vector.broadcast %xor3A_176 : i32 to vector<1568x128xi32>
    %add3A_220 = arith.addi %xor3A_216, %add3A_219 : vector<1568x128xi32>
    %add3A_221 = arith.constant 1 : i32
    %add3A_222 = vector.broadcast %add3A_221 : i32 to vector<1568x128xi32>
    %add3A_223 = arith.addi %add3A_220, %add3A_222 : vector<1568x128xi32>
    %add3A_224 = arith.addi %add3A_218, %add3A_223 : vector<1568x128xi32>
    %shift_left3A_225 = arith.constant 17 : i32
    %shift_left3A_226 = vector.broadcast %shift_left3A_225 : i32 to vector<1568x128xi32>
    %shift_left3A_227 = arith.shli %add3A_223, %shift_left3A_226 : vector<1568x128xi32>
    %shift_right_logical3A_228 = arith.constant 15 : i32
    %shift_right_logical3A_229 = vector.broadcast %shift_right_logical3A_228 : i32 to vector<1568x128xi32>
    %shift_right_logical3A_230 = arith.shrui %add3A_223, %shift_right_logical3A_229 : vector<1568x128xi32>
    %or3A_231 = arith.ori %shift_left3A_227, %shift_right_logical3A_230 : vector<1568x128xi32>
    %xor3A_232 = arith.xori %or3A_231, %add3A_224 : vector<1568x128xi32>
    %add3A_233 = arith.addi %add3A_224, %xor3A_232 : vector<1568x128xi32>
    %shift_left3A_234 = arith.constant 29 : i32
    %shift_left3A_235 = vector.broadcast %shift_left3A_234 : i32 to vector<1568x128xi32>
    %shift_left3A_236 = arith.shli %xor3A_232, %shift_left3A_235 : vector<1568x128xi32>
    %shift_right_logical3A_237 = arith.constant 3 : i32
    %shift_right_logical3A_238 = vector.broadcast %shift_right_logical3A_237 : i32 to vector<1568x128xi32>
    %shift_right_logical3A_239 = arith.shrui %xor3A_232, %shift_right_logical3A_238 : vector<1568x128xi32>
    %or3A_240 = arith.ori %shift_left3A_236, %shift_right_logical3A_239 : vector<1568x128xi32>
    %xor3A_241 = arith.xori %or3A_240, %add3A_233 : vector<1568x128xi32>
    %add3A_242 = arith.addi %add3A_233, %xor3A_241 : vector<1568x128xi32>
    %shift_left3A_243 = arith.constant 16 : i32
    %shift_left3A_244 = vector.broadcast %shift_left3A_243 : i32 to vector<1568x128xi32>
    %shift_left3A_245 = arith.shli %xor3A_241, %shift_left3A_244 : vector<1568x128xi32>
    %shift_right_logical3A_246 = arith.constant 16 : i32
    %shift_right_logical3A_247 = vector.broadcast %shift_right_logical3A_246 : i32 to vector<1568x128xi32>
    %shift_right_logical3A_248 = arith.shrui %xor3A_241, %shift_right_logical3A_247 : vector<1568x128xi32>
    %or3A_249 = arith.ori %shift_left3A_245, %shift_right_logical3A_248 : vector<1568x128xi32>
    %xor3A_250 = arith.xori %or3A_249, %add3A_242 : vector<1568x128xi32>
    %add3A_251 = arith.addi %add3A_242, %xor3A_250 : vector<1568x128xi32>
    %shift_left3A_252 = arith.constant 24 : i32
    %shift_left3A_253 = vector.broadcast %shift_left3A_252 : i32 to vector<1568x128xi32>
    %shift_left3A_254 = arith.shli %xor3A_250, %shift_left3A_253 : vector<1568x128xi32>
    %shift_right_logical3A_255 = arith.constant 8 : i32
    %shift_right_logical3A_256 = vector.broadcast %shift_right_logical3A_255 : i32 to vector<1568x128xi32>
    %shift_right_logical3A_257 = arith.shrui %xor3A_250, %shift_right_logical3A_256 : vector<1568x128xi32>
    %or3A_258 = arith.ori %shift_left3A_254, %shift_right_logical3A_257 : vector<1568x128xi32>
    %xor3A_259 = arith.xori %or3A_258, %add3A_251 : vector<1568x128xi32>
    %add3A_260 = vector.broadcast %xor3A_176 : i32 to vector<1568x128xi32>
    %add3A_261 = arith.addi %add3A_251, %add3A_260 : vector<1568x128xi32>
    %add3A_262 = vector.broadcast %add3A_161 : i32 to vector<1568x128xi32>
    %add3A_263 = arith.addi %xor3A_259, %add3A_262 : vector<1568x128xi32>
    %add3A_264 = arith.constant 2 : i32
    %add3A_265 = vector.broadcast %add3A_264 : i32 to vector<1568x128xi32>
    %add3A_266 = arith.addi %add3A_263, %add3A_265 : vector<1568x128xi32>
    %add3A_267 = arith.addi %add3A_261, %add3A_266 : vector<1568x128xi32>
    %shift_left3A_268 = arith.constant 13 : i32
    %shift_left3A_269 = vector.broadcast %shift_left3A_268 : i32 to vector<1568x128xi32>
    %shift_left3A_270 = arith.shli %add3A_266, %shift_left3A_269 : vector<1568x128xi32>
    %shift_right_logical3A_271 = arith.constant 19 : i32
    %shift_right_logical3A_272 = vector.broadcast %shift_right_logical3A_271 : i32 to vector<1568x128xi32>
    %shift_right_logical3A_273 = arith.shrui %add3A_266, %shift_right_logical3A_272 : vector<1568x128xi32>
    %or3A_274 = arith.ori %shift_left3A_270, %shift_right_logical3A_273 : vector<1568x128xi32>
    %xor3A_275 = arith.xori %or3A_274, %add3A_267 : vector<1568x128xi32>
    %add3A_276 = arith.addi %add3A_267, %xor3A_275 : vector<1568x128xi32>
    %shift_left3A_277 = arith.constant 15 : i32
    %shift_left3A_278 = vector.broadcast %shift_left3A_277 : i32 to vector<1568x128xi32>
    %shift_left3A_279 = arith.shli %xor3A_275, %shift_left3A_278 : vector<1568x128xi32>
    %shift_right_logical3A_280 = arith.constant 17 : i32
    %shift_right_logical3A_281 = vector.broadcast %shift_right_logical3A_280 : i32 to vector<1568x128xi32>
    %shift_right_logical3A_282 = arith.shrui %xor3A_275, %shift_right_logical3A_281 : vector<1568x128xi32>
    %or3A_283 = arith.ori %shift_left3A_279, %shift_right_logical3A_282 : vector<1568x128xi32>
    %xor3A_284 = arith.xori %or3A_283, %add3A_276 : vector<1568x128xi32>
    %add3A_285 = arith.addi %add3A_276, %xor3A_284 : vector<1568x128xi32>
    %shift_left3A_286 = arith.constant 26 : i32
    %shift_left3A_287 = vector.broadcast %shift_left3A_286 : i32 to vector<1568x128xi32>
    %shift_left3A_288 = arith.shli %xor3A_284, %shift_left3A_287 : vector<1568x128xi32>
    %shift_right_logical3A_289 = arith.constant 6 : i32
    %shift_right_logical3A_290 = vector.broadcast %shift_right_logical3A_289 : i32 to vector<1568x128xi32>
    %shift_right_logical3A_291 = arith.shrui %xor3A_284, %shift_right_logical3A_290 : vector<1568x128xi32>
    %or3A_292 = arith.ori %shift_left3A_288, %shift_right_logical3A_291 : vector<1568x128xi32>
    %xor3A_293 = arith.xori %or3A_292, %add3A_285 : vector<1568x128xi32>
    %add3A_294 = arith.addi %add3A_285, %xor3A_293 : vector<1568x128xi32>
    %shift_left3A_295 = arith.constant 6 : i32
    %shift_left3A_296 = vector.broadcast %shift_left3A_295 : i32 to vector<1568x128xi32>
    %shift_left3A_297 = arith.shli %xor3A_293, %shift_left3A_296 : vector<1568x128xi32>
    %shift_right_logical3A_298 = arith.constant 26 : i32
    %shift_right_logical3A_299 = vector.broadcast %shift_right_logical3A_298 : i32 to vector<1568x128xi32>
    %shift_right_logical3A_300 = arith.shrui %xor3A_293, %shift_right_logical3A_299 : vector<1568x128xi32>
    %or3A_301 = arith.ori %shift_left3A_297, %shift_right_logical3A_300 : vector<1568x128xi32>
    %xor3A_302 = arith.xori %or3A_301, %add3A_294 : vector<1568x128xi32>
    %add3A_303 = vector.broadcast %add3A_161 : i32 to vector<1568x128xi32>
    %add3A_304 = arith.addi %add3A_294, %add3A_303 : vector<1568x128xi32>
    %add3A_305 = vector.broadcast %add3A_164 : i32 to vector<1568x128xi32>
    %add3A_306 = arith.addi %xor3A_302, %add3A_305 : vector<1568x128xi32>
    %add3A_307 = arith.constant 3 : i32
    %add3A_308 = vector.broadcast %add3A_307 : i32 to vector<1568x128xi32>
    %add3A_309 = arith.addi %add3A_306, %add3A_308 : vector<1568x128xi32>
    %add3A_310 = arith.addi %add3A_304, %add3A_309 : vector<1568x128xi32>
    %shift_left3A_311 = arith.constant 17 : i32
    %shift_left3A_312 = vector.broadcast %shift_left3A_311 : i32 to vector<1568x128xi32>
    %shift_left3A_313 = arith.shli %add3A_309, %shift_left3A_312 : vector<1568x128xi32>
    %shift_right_logical3A_314 = arith.constant 15 : i32
    %shift_right_logical3A_315 = vector.broadcast %shift_right_logical3A_314 : i32 to vector<1568x128xi32>
    %shift_right_logical3A_316 = arith.shrui %add3A_309, %shift_right_logical3A_315 : vector<1568x128xi32>
    %or3A_317 = arith.ori %shift_left3A_313, %shift_right_logical3A_316 : vector<1568x128xi32>
    %xor3A_318 = arith.xori %or3A_317, %add3A_310 : vector<1568x128xi32>
    %add3A_319 = arith.addi %add3A_310, %xor3A_318 : vector<1568x128xi32>
    %shift_left3A_320 = arith.constant 29 : i32
    %shift_left3A_321 = vector.broadcast %shift_left3A_320 : i32 to vector<1568x128xi32>
    %shift_left3A_322 = arith.shli %xor3A_318, %shift_left3A_321 : vector<1568x128xi32>
    %shift_right_logical3A_323 = arith.constant 3 : i32
    %shift_right_logical3A_324 = vector.broadcast %shift_right_logical3A_323 : i32 to vector<1568x128xi32>
    %shift_right_logical3A_325 = arith.shrui %xor3A_318, %shift_right_logical3A_324 : vector<1568x128xi32>
    %or3A_326 = arith.ori %shift_left3A_322, %shift_right_logical3A_325 : vector<1568x128xi32>
    %xor3A_327 = arith.xori %or3A_326, %add3A_319 : vector<1568x128xi32>
    %add3A_328 = arith.addi %add3A_319, %xor3A_327 : vector<1568x128xi32>
    %shift_left3A_329 = arith.constant 16 : i32
    %shift_left3A_330 = vector.broadcast %shift_left3A_329 : i32 to vector<1568x128xi32>
    %shift_left3A_331 = arith.shli %xor3A_327, %shift_left3A_330 : vector<1568x128xi32>
    %shift_right_logical3A_332 = arith.constant 16 : i32
    %shift_right_logical3A_333 = vector.broadcast %shift_right_logical3A_332 : i32 to vector<1568x128xi32>
    %shift_right_logical3A_334 = arith.shrui %xor3A_327, %shift_right_logical3A_333 : vector<1568x128xi32>
    %or3A_335 = arith.ori %shift_left3A_331, %shift_right_logical3A_334 : vector<1568x128xi32>
    %xor3A_336 = arith.xori %or3A_335, %add3A_328 : vector<1568x128xi32>
    %add3A_337 = arith.addi %add3A_328, %xor3A_336 : vector<1568x128xi32>
    %shift_left3A_338 = arith.constant 24 : i32
    %shift_left3A_339 = vector.broadcast %shift_left3A_338 : i32 to vector<1568x128xi32>
    %shift_left3A_340 = arith.shli %xor3A_336, %shift_left3A_339 : vector<1568x128xi32>
    %shift_right_logical3A_341 = arith.constant 8 : i32
    %shift_right_logical3A_342 = vector.broadcast %shift_right_logical3A_341 : i32 to vector<1568x128xi32>
    %shift_right_logical3A_343 = arith.shrui %xor3A_336, %shift_right_logical3A_342 : vector<1568x128xi32>
    %or3A_344 = arith.ori %shift_left3A_340, %shift_right_logical3A_343 : vector<1568x128xi32>
    %xor3A_345 = arith.xori %or3A_344, %add3A_337 : vector<1568x128xi32>
    %add3A_346 = vector.broadcast %add3A_164 : i32 to vector<1568x128xi32>
    %add3A_347 = arith.addi %add3A_337, %add3A_346 : vector<1568x128xi32>
    %add3A_348 = vector.broadcast %xor3A_176 : i32 to vector<1568x128xi32>
    %add3A_349 = arith.addi %xor3A_345, %add3A_348 : vector<1568x128xi32>
    %add3A_350 = arith.constant 4 : i32
    %add3A_351 = vector.broadcast %add3A_350 : i32 to vector<1568x128xi32>
    %add3A_352 = arith.addi %add3A_349, %add3A_351 : vector<1568x128xi32>
    %add3A_353 = arith.addi %add3A_347, %add3A_352 : vector<1568x128xi32>
    %shift_left3A_354 = arith.constant 13 : i32
    %shift_left3A_355 = vector.broadcast %shift_left3A_354 : i32 to vector<1568x128xi32>
    %shift_left3A_356 = arith.shli %add3A_352, %shift_left3A_355 : vector<1568x128xi32>
    %shift_right_logical3A_357 = arith.constant 19 : i32
    %shift_right_logical3A_358 = vector.broadcast %shift_right_logical3A_357 : i32 to vector<1568x128xi32>
    %shift_right_logical3A_359 = arith.shrui %add3A_352, %shift_right_logical3A_358 : vector<1568x128xi32>
    %or3A_360 = arith.ori %shift_left3A_356, %shift_right_logical3A_359 : vector<1568x128xi32>
    %xor3A_361 = arith.xori %or3A_360, %add3A_353 : vector<1568x128xi32>
    %add3A_362 = arith.addi %add3A_353, %xor3A_361 : vector<1568x128xi32>
    %shift_left3A_363 = arith.constant 15 : i32
    %shift_left3A_364 = vector.broadcast %shift_left3A_363 : i32 to vector<1568x128xi32>
    %shift_left3A_365 = arith.shli %xor3A_361, %shift_left3A_364 : vector<1568x128xi32>
    %shift_right_logical3A_366 = arith.constant 17 : i32
    %shift_right_logical3A_367 = vector.broadcast %shift_right_logical3A_366 : i32 to vector<1568x128xi32>
    %shift_right_logical3A_368 = arith.shrui %xor3A_361, %shift_right_logical3A_367 : vector<1568x128xi32>
    %or3A_369 = arith.ori %shift_left3A_365, %shift_right_logical3A_368 : vector<1568x128xi32>
    %xor3A_370 = arith.xori %or3A_369, %add3A_362 : vector<1568x128xi32>
    %add3A_371 = arith.addi %add3A_362, %xor3A_370 : vector<1568x128xi32>
    %shift_left3A_372 = arith.constant 26 : i32
    %shift_left3A_373 = vector.broadcast %shift_left3A_372 : i32 to vector<1568x128xi32>
    %shift_left3A_374 = arith.shli %xor3A_370, %shift_left3A_373 : vector<1568x128xi32>
    %shift_right_logical3A_375 = arith.constant 6 : i32
    %shift_right_logical3A_376 = vector.broadcast %shift_right_logical3A_375 : i32 to vector<1568x128xi32>
    %shift_right_logical3A_377 = arith.shrui %xor3A_370, %shift_right_logical3A_376 : vector<1568x128xi32>
    %or3A_378 = arith.ori %shift_left3A_374, %shift_right_logical3A_377 : vector<1568x128xi32>
    %xor3A_379 = arith.xori %or3A_378, %add3A_371 : vector<1568x128xi32>
    %add3A_380 = arith.addi %add3A_371, %xor3A_379 : vector<1568x128xi32>
    %shift_left3A_381 = arith.constant 6 : i32
    %shift_left3A_382 = vector.broadcast %shift_left3A_381 : i32 to vector<1568x128xi32>
    %shift_left3A_383 = arith.shli %xor3A_379, %shift_left3A_382 : vector<1568x128xi32>
    %shift_right_logical3A_384 = arith.constant 26 : i32
    %shift_right_logical3A_385 = vector.broadcast %shift_right_logical3A_384 : i32 to vector<1568x128xi32>
    %shift_right_logical3A_386 = arith.shrui %xor3A_379, %shift_right_logical3A_385 : vector<1568x128xi32>
    %or3A_387 = arith.ori %shift_left3A_383, %shift_right_logical3A_386 : vector<1568x128xi32>
    %xor3A_388 = arith.xori %or3A_387, %add3A_380 : vector<1568x128xi32>
    %add3A_389 = vector.broadcast %xor3A_176 : i32 to vector<1568x128xi32>
    %add3A_390 = arith.addi %add3A_380, %add3A_389 : vector<1568x128xi32>
    %add3A_391 = vector.broadcast %add3A_161 : i32 to vector<1568x128xi32>
    %add3A_392 = arith.addi %xor3A_388, %add3A_391 : vector<1568x128xi32>
    %add3A_393 = arith.constant 5 : i32
    %add3A_394 = vector.broadcast %add3A_393 : i32 to vector<1568x128xi32>
    %add3A_395 = arith.addi %add3A_392, %add3A_394 : vector<1568x128xi32>
    %xor3A_396 = arith.xori %add3A_390, %add3A_395 : vector<1568x128xi32>
    %shift_right_logical3A_397 = arith.constant 20 : i32
    %shift_right_logical3A_398 = vector.broadcast %shift_right_logical3A_397 : i32 to vector<1568x128xi32>
    %shift_right_logical3A_399 = arith.shrui %xor3A_396, %shift_right_logical3A_398 : vector<1568x128xi32>
    %and3A = arith.constant 1048575 : i32
    %and3A_400 = vector.broadcast %and3A : i32 to vector<1568x128xi32>
    %and3A_401 = arith.andi %xor3A_396, %and3A_400 : vector<1568x128xi32>
    %mul3A_402 = arith.constant 48576 : i32
    %mul3A_403 = vector.broadcast %mul3A_402 : i32 to vector<1568x128xi32>
    %mul3A_404 = arith.muli %shift_right_logical3A_399, %mul3A_403 : vector<1568x128xi32>
    %add3A_405 = arith.addi %mul3A_404, %and3A_401 : vector<1568x128xi32>
    %convert_element_type3A = arith.sitofp %add3A_405 : vector<1568x128xi32> to vector<1568x128xf32>
    %mul3A_406 = arith.constant 9.99999997E-7 : f32
    %mul3A_407 = vector.broadcast %mul3A_406 : f32 to vector<1568x128xf32>
    %mul3A_408 = arith.mulf %convert_element_type3A, %mul3A_407 : vector<1568x128xf32>
    %convert_element_type3A_409 = arith.fptosi %mul3A_408 : vector<1568x128xf32> to vector<1568x128xi32>
    %mul3A_410 = arith.constant 1000000 : i32
    %mul3A_411 = vector.broadcast %mul3A_410 : i32 to vector<1568x128xi32>
    %mul3A_412 = arith.muli %convert_element_type3A_409, %mul3A_411 : vector<1568x128xi32>
    %sub3A = arith.subi %add3A_405, %mul3A_412 : vector<1568x128xi32>
    %lt3A = arith.constant 0 : i32
    %lt3A_413 = vector.broadcast %lt3A : i32 to vector<1568x128xi32>
    %lt3A_414 = arith.cmpi slt, %sub3A, %lt3A_413 : vector<1568x128xi32>
    %add3A_415 = arith.constant 1000000 : i32
    %add3A_416 = vector.broadcast %add3A_415 : i32 to vector<1568x128xi32>
    %add3A_417 = arith.addi %sub3A, %add3A_416 : vector<1568x128xi32>
    %select_n3A = arith.select %lt3A_414, %add3A_417, %sub3A : vector<1568x128xi1>, vector<1568x128xi32>
    %ge3A = arith.constant 1000000 : i32
    %ge3A_418 = vector.broadcast %ge3A : i32 to vector<1568x128xi32>
    %ge3A_419 = arith.cmpi sge, %select_n3A, %ge3A_418 : vector<1568x128xi32>
    %sub3A_420 = arith.constant 1000000 : i32
    %sub3A_421 = vector.broadcast %sub3A_420 : i32 to vector<1568x128xi32>
    %sub3A_422 = arith.subi %select_n3A, %sub3A_421 : vector<1568x128xi32>
    %select_n3A_423 = arith.select %ge3A_419, %sub3A_422, %select_n3A : vector<1568x128xi1>, vector<1568x128xi32>
    %swap3A = arith.constant 0 : index
    %swap3A_424 = arith.constant 0 : index
    %swap3A_425 = vector.load %arg2[%swap3A, %swap3A_424] : memref<1568x128xi32, #tpu.memory_space<vmem>>, vector<1568x128xi32>
    tpu.vector_store %arg2[%swap3A, %swap3A_424], %select_n3A_423 {strides = array<i32>} : memref<1568x128xi32, #tpu.memory_space<vmem>>, vector<1568x128xi32>,
    return
  }
  func.func @transform_0(%arg0: i32) -> i32 {
    %c0_i32 = arith.constant 0 : i32
    %c0_i32_0 = arith.constant 0 : i32
    return %c0_i32 : i32
  }
  func.func @transform_1(%arg0: i32) -> (i32, i32) {
    %c0_i32 = arith.constant 0 : i32
    %c0_i32_0 = arith.constant 0 : i32
    return %arg0, %c0_i32 : i32, i32
  }
}

</mosaic_0001>

<sc_bundles>
// kernel: kernel.4.cloned.1.call-start
scs
__scs_entry_jumppad:
0x0: {  	(pc) =	sbr.rel $0x88, $3  }
0x1: {  	(tag) =	ssettag $0x0;
	lr =	simm.s32 $0x1  }
0x2: {  	[smem:$0x3F9F] =	sst lr;
	_ =	strace $0xD0000000  }
0x3: {  	_ = 	snop  }
0x4: {  	_ = 	snop  }
0x5: {  	_ = 	snop  }
0x6: {  	_ = 	snop  }
0x7: {  	_ = 	snop  }
__scs_overlays_trampoline_lowered:
0x8: {  	[smem:$0x3FAE] =	sst s0  }
0x9: {  	[smem:$0x3FAF] =	sst s1  }
0xa: {  	[smem:$0x3FB0] =	sst s2  }
0xb: {  	[smem:$0x3FB1] =	sst s3  }
0xc: {  	[smem:$0x3FB2] =	sst s4  }
0xd: {  	[smem:$0x3FB3] =	sst s5  }
0xe: {  	[smem:$0x3FB4] =	sst s6  }
0xf: {  	[smem:$0x3FB5] =	sst s7  }
0x10: {  	[smem:$0x3FB6] =	sst s8  }
0x11: {  	[smem:$0x3FB7] =	sst s9;
	s0 =	simm.s32 @!p0 $0x0  }
0x12: {  	s1 =	sld [smem:$0x3F9D];
	s0 =	simm.s32 @p0 $0x1  }
0x13: {  	[smem:$0x3FB8] =	sst s0;
	s0 =	simm.s32 @!p1 $0x0  }
0x14: {  	s2 =	sld [smem:$0x3F9C];
	s0 =	simm.s32 @p1 $0x1  }
0x15: {  	[smem:$0x3FB9] =	sst s0;
	s0 =	simm.s32 @!p2 $0x0  }
0x16: {  	s3 =	sld [smem:$0x3FDB];
	s0 =	simm.s32 @p2 $0x1  }
0x17: {  	s4 =	simm.s32 $0x1BF5;
	[smem:$0x3FBB] =	sst s0  }
0x18: {  	s0 =	sld [smem:$0x3F9E];
	_ =	swait.ge [sflag:s4], $0x0  }
0x19: {  	s7 =	sld [smem:$0x3F9F]  }
0x1a: {  	s8 =	sadd.s32 $0xFFFFE003, lr  }
0x1b: {  	s9 =	sadd.s32 $0xFFFFFEF7, lr;
	s5 =	simm.s32 $0xFFFFFFFF;
	p2 =	slt.u32 s8, $0xFFFFF086  }
0x1c: {  	p1 =	slt.u32 s9, $0xF7A;
	s5 =	simm.s32 @!p2 $0x0  }
0x1d: {  	s5 =	simm.s32 @p1 $0x1;
	p0 =	seq.s32 s7, s2  }
0x1e: {  	s7 =	smul.u32 @!p0 $0xF7A, s2;
	p2 =	seq.s32 @!p0 s5, $0x0  }
0x1f: {  	s9 =	smul.u32 $0xF7A, s1;
	s8 =	simm.s32 @!p0 $0x1BF5;
	p2 =	por !p2, p0  }
0x20: {  	[sflag:s8] =	ssyncset.s32 @!p0 $0xFFFFF086;
	s6 =	sadd.s32 @!p0 s3, s7;
	s7 =	simm.s32 @!p0 $0x108  }
0x21: {  	s3 =	sadd.s32 s3, s9;
	s6 =	sadd.s32 @!p0 $0x88, s6;
	s7 =	simm.s32 @p2 $0x1082  }
0x22: {  	[simem:s7], [sflag:s8] =	dma.local @!p0 [hbm:s6], $0xF7A  }
0x23: {  	s9 =	sor.u32 $0xD0000000, s2;
	s6 =	simm.s32 $0x108;
	_ =	swait.ge @!p0 [sflag:s8], $0x0  }
0x24: {  	s3 =	sadd.s32 $0x88, s3;
	s6 =	simm.s32 @!p1 $0x1082;
	[sflag:s4] =	ssyncset.s32 $0xFFFFF086  }
0x25: {  	[simem:s6], [sflag:s4] =	dma.local [hbm:s3], $0xF7A  }
0x26: {  	[smem:$0x3F9F] =	sst s1;
	(tag) =	ssettag s2;
	_ =	strace s9  }
0x27: {  	s1 =	sld [smem:$0x3FAF]  }
0x28: {  	s2 =	sld [smem:$0x3FB0]  }
0x29: {  	s4 =	sld [smem:$0x3FB2]  }
0x2a: {  	p0 =	seq.s32 s5, $0x0;
	s5 =	sld [smem:$0x3FB3]  }
0x2b: {  	s6 =	sld [smem:$0x3FB4]  }
0x2c: {  	s7 =	sld [smem:$0x3FB5]  }
0x2d: {  	s3 =	simm.s32 $0x108;
	s8 =	sld [smem:$0x3FB6]  }
0x2e: {  	s3 =	simm.s32 @!p0 $0x1082;
	s9 =	sld [smem:$0x3FB7]  }
0x2f: {  	lr =	sadd.s32 s0, s3;
	s0 =	sld [smem:$0x3FAE]  }
0x30: {  	s3 =	sld [smem:$0x3FB1]  }
0x31: {  	[smem:$0x3FBA] =	sst s10  }
0x32: {  	s10 =	sld [smem:$0x3FB8];
	_ =	sdelay $0x3  }
0x33: {  	p0 =	seq.s32 s10, $0x1;
	s10 =	sld [smem:$0x3FBA];
	_ =	sdelay $0x3  }
0x34: {  	[smem:$0x3FBA] =	sst s10  }
0x35: {  	s10 =	sld [smem:$0x3FB9];
	_ =	sdelay $0x3  }
0x36: {  	p1 =	seq.s32 s10, $0x1;
	s10 =	sld [smem:$0x3FBA];
	_ =	sdelay $0x3  }
0x37: {  	[smem:$0x3FBA] =	sst s10  }
0x38: {  	s10 =	sld [smem:$0x3FBB]  }
0x39: {  	_ = 	snop;
	(pc) =	sbr.ind lr, $3  }
0x3a: {  	_ = 	snop  }
0x3b: {  	_ = 	snop  }
0x3c: {  	p2 =	seq.s32 s10, $0x1;
	s10 =	sld [smem:$0x3FBA]  }
0x3d: {  	_ =	shalt  }
0x3e: {  	_ =	shalt  }
0x3f: {  	_ =	shalt  }
0x40: {  	_ =	shalt  }
0x41: {  	_ =	shalt  }
0x42: {  	_ =	shalt  }
0x43: {  	_ =	shalt  }
0x44: {  	_ =	shalt  }
0x45: {  	_ =	shalt  }
0x46: {  	_ =	shalt  }
0x47: {  	_ =	shalt  }
0x48: {  	_ =	shalt  }
0x49: {  	_ =	shalt  }
0x4a: {  	_ =	shalt  }
0x4b: {  	_ =	shalt  }
0x4c: {  	_ =	shalt  }
0x4d: {  	_ =	shalt  }
0x4e: {  	_ =	shalt  }
0x4f: {  	_ =	shalt  }
0x50: {  	_ =	shalt  }
0x51: {  	_ =	shalt  }
0x52: {  	_ =	shalt  }
0x53: {  	_ =	shalt  }
0x54: {  	_ =	shalt  }
0x55: {  	_ =	shalt  }
0x56: {  	_ =	shalt  }
0x57: {  	_ =	shalt  }
0x58: {  	_ =	shalt  }
0x59: {  	_ =	shalt  }
0x5a: {  	_ =	shalt  }
0x5b: {  	_ =	shalt  }
0x5c: {  	_ =	shalt  }
0x5d: {  	_ =	shalt  }
0x5e: {  	_ =	shalt  }
0x5f: {  	_ =	shalt  }
0x60: {  	_ =	shalt  }
0x61: {  	_ =	shalt  }
0x62: {  	_ =	shalt  }
0x63: {  	_ =	shalt  }
0x64: {  	_ =	shalt  }
0x65: {  	_ =	shalt  }
0x66: {  	_ =	shalt  }
0x67: {  	_ =	shalt  }
0x68: {  	_ =	shalt  }
0x69: {  	_ =	shalt  }
0x6a: {  	_ =	shalt  }
0x6b: {  	_ =	shalt  }
0x6c: {  	_ =	shalt  }
0x6d: {  	_ =	shalt  }
0x6e: {  	_ =	shalt  }
0x6f: {  	_ =	shalt  }
0x70: {  	_ =	shalt  }
0x71: {  	_ =	shalt  }
0x72: {  	_ =	shalt  }
0x73: {  	_ =	shalt  }
0x74: {  	_ =	shalt  }
0x75: {  	_ =	shalt  }
0x76: {  	_ =	shalt  }
0x77: {  	_ =	shalt  }
0x78: {  	_ =	shalt  }
0x79: {  	_ =	shalt  }
0x7a: {  	_ =	shalt  }
0x7b: {  	_ =	shalt  }
0x7c: {  	_ =	shalt  }
0x7d: {  	_ =	shalt  }
0x7e: {  	_ =	shalt  }
0x7f: {  	_ =	shalt  }
0x80: {  	_ =	shalt  }
0x81: {  	_ =	shalt  }
0x82: {  	_ =	shalt  }
0x83: {  	_ =	shalt  }
0x84: {  	_ =	shalt  }
0x85: {  	_ =	shalt  }
0x86: {  	_ =	shalt  }
0x87: {  	_ =	shalt  }
.Lfunc_end0:
.L_simem_size_0:
called_computation_lowered:
.L_overlay_start_0:
0x88: {  	s2 =	sld [smem:$0x3FD9]  }
0x89: {  	s3 =	sld [smem:$0x3FFE];
	_ =	sdelay $0x1  }
0x8a: {  	s1 =	srdreg.scid  }
0x8b: {  	s0 =	sand.u32 $0x1, s1  }
0x8c: {  	s17 =	sshll.u32 s0, $0xA;
	s2 =	sadd.s32 s3, s2  }
0x8d: {  	s2 =	sadd.s32 s2, s17  }
0x8e: {  	[smem:$0x3FC6] =	sst s2  }
0x8f: {  	_ = 	snop  }
0x90: {  	s2 =	sld [smem:$0x3FC8]  }
0x91: {  	s18 =	sld [smem:$0x3FD0];
	(tm) =	ssettm $0x1  }
0x92: {  	s4 =	sld [smem:$0x3FFB];
	_ =	sdelay $0x3  }
0x93: {  	_ =	strace s4  }
0x94: {  	s4 =	sld [smem:$0x3FFC];
	_ =	sdelay $0x3  }
0x95: {  	_ =	strace s4  }
0x96: {  	s4 =	sld [smem:$0x3FFD];
	_ =	sdelay $0x3  }
0x97: {  	_ =	strace s4  }
0x98: {  	_ =	strace $0x8FFFFFFF  }
0x99: {  	s19 =	sld [smem:$0x3FDB];
	_ =	sdelay $0x1  }
0x9a: {  	s5 =	simm.s32 $_scs_section_size  }
0x9b: {  	s6 =	simm.s32 $_size__tile_overlayer_lowered;
	s7 =	simm.s32 $_tile_overlayer_lowered  }
0x9c: {  	s22 =	simm.s32 $0x1BFF;
	s21 =	sshll.u32 s7, $0x1;
	s4 =	sadd.s32 s5, s19  }
0x9d: {  	s8 =	simm.s32 $0x0;
	s20 =	sshll.u32 s6, $0x1;
	s6 =	sadd.s32 s21, s4  }
0x9e: {  	[timem:s8], [sflag:s22] =	dma.local [hbm:s6], s20  }
0x9f: {  	_ =	swait.ge [sflag:s22], s20  }
0xa0: {  	s5 =	ssub.s32 $0x0, s20;
	[sflag:s22] =	ssyncset.done $0x0  }
0xa1: {  	[sflag:s22] =	ssyncadd.s32 s5;
	_ =	sdelay $0x1  }
0xa2: {  	s23 =	simm.s32 $0x1B8B  }
0xa3: {  	_ =	swait.ge [sflag:s23], $0x1  }
0xa4: {  	[sflag:s23] =	ssyncset.done $0x0  }
0xa5: {  	s25 =	simm.s32 $0x1B8E;
	s24 =	sld [smem:$0x3FFE];
	[sflag:s23] =	ssyncadd.s32 $0xFFFFFFFF  }
0xa6: {  	s26 =	simm.s32 $execute0_lowered;
	[smem:$0x3FD2] =	sst s25  }
0xa7: {  	s6 =	sshll.u32 s26, $0x1;
	_ =	strace $0x80000046;
	[dreg:$0x1] =	wrdreg $0xFFFFFFFF  }
0xa8: {  	s28 =	simm.s32 $_size_execute0_lowered;
	s4 =	sadd.s32 s4, s6;
	[dreg:$0x0] =	wrdreg $0x0  }
0xa9: {  	s6 =	sshll.u32 s28, $0x1;
	[dreg:$0x2] =	wrdreg s4  }
0xaa: {  	[dreg:$0x3] =	wrdreg s6  }
0xab: {  	[dreg:$0x4] =	wrdreg $0xC0  }
0xac: {  	_ =	task [dreg:s8], $0x5FFFF  }
0xad: {  	[dreg:$0x1] =	wrdreg $0xFFFFFFFF  }
0xae: {  	[dreg:$0x0] =	wrdreg $0x60  }
0xaf: {  	[dreg:$0x2] =	wrdreg s2  }
0xb0: {  	[dreg:$0x3] =	wrdreg s24  }
0xb1: {  	[dreg:$0x4] =	wrdreg s18  }
0xb2: {  	[dreg:$0x5] =	wrdreg $0xF5000  }
0xb3: {  	[dreg:$0x6] =	wrdreg $0x9  }
0xb4: {  	_ =	task.clear_ibuf [dreg:s8], $0x7FFFF;
	_ =	strace $0x90000046  }
0xb5: {  	s29 =	simm.s32 $0x9;
	_ =	strace $0x80000048  }
0xb6: {  	_ =	swait.ge [sflag:s29], $0x1  }
0xb7: {  	[sflag:s29] =	ssyncadd.s32 $0xFFFFFFFF  }
0xb8: {  	_ =	strace $0x90000048  }
0xb9: {  	_ =	sfence  }
0xba: {  	s30 =	sld [smem:$0x0];
	_ =	sdelay $0x2  }
0xbb: {  	s31 =	sshll.u32 s1, $0xD;
	s1 =	sshrl.u32 s1, $0x2  }
0xbc: {  	s3 =	sand.u32 $0x4000, s31;
	s1 =	sadd.s32 s1, s30  }
0xbd: {  	s0 =	sor.u32 s3, s0;
	s1 =	sshll.u32 s1, $0x11  }
0xbe: {  	s0 =	sor.u32 s1, s0  }
0xbf: {  	s0 =	sadd.s32 $0x8F2B, s0  }
0xc0: {  	[sflag:s0] =	ssyncadd.remote.s32 $0x1  }
0xc1: {  	_ =	sfence.sel $0xFFFF  }
0xc2: {  	[dreg:$0x0] =	wrdreg $0xFFFFFFFF;
	(pc) =	sbr.abs _section_cstart, $3  }
0xc3: {  	[dreg:$0x1] =	wrdreg $0xFFFFFFFF  }
0xc4: {  	_ =	task.clear_ibuf [dreg:s8], $0x2FFFF;
	_ =	strace $0x9FFFFFFF  }
0xc5: {  	(tm) =	ssettm $0x7FFFFFFF  }
tec
execute0_lowered:
.L_overlay_start_1:
0x0: {  	(tag) =	ssettag $0x1  }
0x1: {  	s0 =	srdreg.scid;
	s10 =	stileid.u32  }
0x2: {  	s15 =	sand.u32 $0x1, s0;
	s31 =	sshll.u32 s10, $0x1  }
0x3: {  	s11 =	rddreg [dreg:$0x0];
	s0 =	sor.u32 s15, s31  }
0x4: {  	s3 =	rddreg [dreg:$0x1];
	s4 =	smul.u32 $0x7A18, s0  }
0x5: {  	s17 =	rddreg [dreg:$0x2]  }
0x6: {  	s1 =	rddreg [dreg:$0x3];
	s2 =	simm.s32 $0x0;
	s4 =	smin.u32 s4, $0xEC828  }
0x7: {  	[smem:$0x7FF] =	sst s2;
	s18 =	sshrl.u32 s4, $0x3  }
0x8: {  	s8 =	smul.u32 $0xF420, s10;
	s0 =	rddreg [dreg:$0x4];
	s3 =	sadd.s32 s18, s3  }
0x9: {  	_ =	strace $0x80000047;
	s4 =	simm.s32 $0x2;
	s3 =	sadd.s32 $0x800, s3  }
0xa: {  	[tilespmem:s2], [sflag:$0x2] =	stream.linear.gather [hbm4b:s3+s2], $0x7A18, $0x38;
	[tilespmem:$0x1E928] =	vst v63  }
0xb: {  	_ =	swait.ge [sflag:s4], $0x7A18  }
0xc: {  	s5 =	sshrl.u32 s8, $0x3;
	[sflag:s4] =	ssyncset.done $0x0  }
0xd: {  	s6 =	simm.s32 $0x7A80;
	s5 =	sadd.s32 s11, s5;
	[sflag:s4] =	ssyncadd.s32 $0xFFFF85E8  }
0xe: {  	[tilespmem:s6], [sflag:$0x2] =	stream.linear.gather [hbm4b:s5+s2], $0x7A10, $0x38;
	[tilespmem:$0x1E928] =	vst v63  }
0xf: {  	_ =	swait.ge [sflag:s4], $0x7A10  }
0x10: {  	[sflag:s4] =	ssyncset.done $0x0  }
0x11: {  	s7 =	sadd.s32 s8, s1;
	[sflag:s4] =	ssyncadd.s32 $0xFFFF85F0  }
0x12: {  	[spmem:s7] =	stream.linear.scatter [tilespmem:s6], [sflag:$0x2], $0x7A10, $0x38;
	[tilespmem:$0x1E928] =	vst v63  }
0x13: {  	s9 =	sadd.s32 $0x7A10, s8;
	_ =	swait.ge [sflag:s4], $0x7A10  }
0x14: {  	s8 =	sshrl.u32 s9, $0x3;
	[sflag:s4] =	ssyncset.done $0x0  }
0x15: {  	s8 =	sadd.s32 s11, s8;
	[sflag:s4] =	ssyncadd.s32 $0xFFFF85F0  }
0x16: {  	[tilespmem:s6], [sflag:$0x2] =	stream.linear.gather [hbm4b:s8+s2], $0x7A10, $0x38;
	[tilespmem:$0x1E928] =	vst v63  }
0x17: {  	_ =	swait.ge [sflag:s4], $0x7A10  }
0x18: {  	[sflag:s4] =	ssyncset.done $0x0  }
0x19: {  	s9 =	sadd.s32 s9, s1;
	[sflag:s4] =	ssyncadd.s32 $0xFFFF85F0  }
0x1a: {  	[spmem:s9] =	stream.linear.scatter [tilespmem:s6], [sflag:$0x2], $0x7A10, $0x38;
	[tilespmem:$0x1E928] =	vst v63  }
0x1b: {  	p0 =	sne.s32 s10, $0x0;
	_ =	swait.ge [sflag:s4], $0x7A10  }
0x1c: {  	s10 =	sadd.s32 $0x1E840, s11;
	s12 =	simm.s32 @!p0 $0x0;
	[sflag:s4] =	ssyncset.done $0x0  }
0x1d: {  	s13 =	simm.s32 @!p0 $0x7A80;
	s11 =	simm.s32 @!p0 $0x2;
	[sflag:s4] =	ssyncadd.s32 $0xFFFF85F0  }
0x1e: {  	[tilespmem:s13], [sflag:$0x2] =	stream.linear.gather @!p0 [hbm4b:s10+s12], $0x40, $0x38;
	[tilespmem:$0x1E928] =	vst v63  }
0x1f: {  	_ =	swait.ge @!p0 [sflag:s11], $0x40  }
0x20: {  	[sflag:s11] =	ssyncset.done @!p0 $0x0  }
0x21: {  	s14 =	sadd.s32 $0xF4200, s1;
	s19 =	ssub.s32 $0x2, s15;
	[sflag:s11] =	ssyncadd.s32 @!p0 $0xFFFFFFC0  }
0x22: {  	[spmem:s14] =	stream.linear.scatter @!p0 [tilespmem:s13], [sflag:$0x2], $0x40, $0x38;
	[tilespmem:$0x1E928] =	vst v63  }
0x23: {  	s20 =	sshrl.u32 s19, $0x1;
	_ =	swait.ge @!p0 [sflag:s11], $0x40  }
0x24: {  	s16 =	simm.s32 $0x1;
	s19 =	ssub.s32 s19, s20;
	[sflag:s11] =	ssyncset.done @!p0 $0x0  }
0x25: {  	s15 =	simm.s32 $0x7A18;
	s19 =	smax.u32 s19, $0x1;
	[sflag:s11] =	ssyncadd.s32 @!p0 $0xFFFFFFC0  }
0x26: {  	s17 =	sadd.s32 s17, s18;
	s18 =	sadd.s32 $0xFFFFFFFF, s19;
	[bflag:$0x0] =	sbarrier.arrive $0xFFFF  }
0x27: {  	[tilespmem:s6], [sflag:$0x1] =	stream.indirect.gather [spmem:s1], $0x1, s2, s15, $0xb8;
	[tilespmem:$0x1E928] =	vst v63  }
0x28: {  	p1 =	sne.s32 s18, $0x0;
	_ =	swait.ge [sflag:s16], $0x7A18  }
.Ltmp0:
0x29: {  	[sflag:s16] =	ssyncset.done $0x0;
	(pc) =	sbr.rel @!p1 .LBB2_2-.Ltmp0, $4  }
0x2a: {  	[sflag:s16] =	ssyncadd.s32 $0xFFFF85E8  }
0x2b: {  	[hbm4b:s17+s2] =	stream.linear.scatter [tilespmem:s6], [sflag:$0x2], $0x7A18, $0x38;
	[tilespmem:$0x1E928] =	vst v63  }
0x2c: {  	_ =	swait.ge [sflag:s4], $0x7A18  }
0x2d: {  	[sflag:s4] =	ssyncset.done $0x0  }
.LBB2_1:
0x2e: {  	s18 =	sadd.s32 $0xFFFFFFFF, s18;
	[sflag:s4] =	ssyncadd.s32 $0xFFFF85E8  }
0x2f: {  	[tilespmem:s2], [sflag:$0x2] =	stream.linear.gather [hbm4b:s3+s2], $0x7A18, $0x38;
	[tilespmem:$0x1E928] =	vst v63  }
0x30: {  	p1 =	sne.s32 s18, $0x0;
	_ =	swait.ge [sflag:s4], $0x7A18  }
0x31: {  	[sflag:s4] =	ssyncset.done $0x0  }
0x32: {  	[sflag:s4] =	ssyncadd.s32 $0xFFFF85E8  }
0x33: {  	[tilespmem:s6], [sflag:$0x2] =	stream.linear.gather [hbm4b:s5+s2], $0x7A10, $0x38;
	[tilespmem:$0x1E928] =	vst v63  }
0x34: {  	_ =	swait.ge [sflag:s4], $0x7A10  }
0x35: {  	[sflag:s4] =	ssyncset.done $0x0  }
0x36: {  	[sflag:s4] =	ssyncadd.s32 $0xFFFF85F0  }
0x37: {  	[spmem:s7] =	stream.linear.scatter [tilespmem:s6], [sflag:$0x2], $0x7A10, $0x38;
	[tilespmem:$0x1E928] =	vst v63  }
0x38: {  	_ =	swait.ge [sflag:s4], $0x7A10  }
0x39: {  	[sflag:s4] =	ssyncset.done $0x0  }
0x3a: {  	[sflag:s4] =	ssyncadd.s32 $0xFFFF85F0  }
0x3b: {  	[tilespmem:s6], [sflag:$0x2] =	stream.linear.gather [hbm4b:s8+s2], $0x7A10, $0x38;
	[tilespmem:$0x1E928] =	vst v63  }
0x3c: {  	_ =	swait.ge [sflag:s4], $0x7A10  }
0x3d: {  	[sflag:s4] =	ssyncset.done $0x0  }
0x3e: {  	[sflag:s4] =	ssyncadd.s32 $0xFFFF85F0  }
0x3f: {  	[spmem:s9] =	stream.linear.scatter [tilespmem:s6], [sflag:$0x2], $0x7A10, $0x38;
	[tilespmem:$0x1E928] =	vst v63  }
0x40: {  	_ =	swait.ge [sflag:s4], $0x7A10  }
0x41: {  	[sflag:s4] =	ssyncset.done $0x0  }
0x42: {  	[sflag:s4] =	ssyncadd.s32 $0xFFFF85F0  }
0x43: {  	[tilespmem:s13], [sflag:$0x2] =	stream.linear.gather @!p0 [hbm4b:s10+s12], $0x40, $0x38;
	[tilespmem:$0x1E928] =	vst v63  }
0x44: {  	_ =	swait.ge @!p0 [sflag:s11], $0x40  }
0x45: {  	[sflag:s11] =	ssyncset.done @!p0 $0x0  }
0x46: {  	[sflag:s11] =	ssyncadd.s32 @!p0 $0xFFFFFFC0  }
0x47: {  	[spmem:s14] =	stream.linear.scatter @!p0 [tilespmem:s13], [sflag:$0x2], $0x40, $0x38;
	[tilespmem:$0x1E928] =	vst v63  }
0x48: {  	_ =	swait.ge @!p0 [sflag:s11], $0x40  }
0x49: {  	[sflag:s11] =	ssyncset.done @!p0 $0x0  }
0x4a: {  	[sflag:s11] =	ssyncadd.s32 @!p0 $0xFFFFFFC0  }
0x4b: {  	[bflag:$0x0] =	sbarrier.arrive $0xFFFF  }
0x4c: {  	[tilespmem:s6], [sflag:$0x1] =	stream.indirect.gather [spmem:s1], $0x1, s2, s15, $0xb8;
	[tilespmem:$0x1E928] =	vst v63  }
0x4d: {  	_ =	swait.ge [sflag:s16], $0x7A18  }
.Ltmp1:
0x4e: {  	[sflag:s16] =	ssyncset.done $0x0;
	(pc) =	sbr.rel @p1 .LBB2_1-.Ltmp1, $4  }
0x4f: {  	[sflag:s16] =	ssyncadd.s32 $0xFFFF85E8  }
0x50: {  	[hbm4b:s17+s2] =	stream.linear.scatter [tilespmem:s6], [sflag:$0x2], $0x7A18, $0x38;
	[tilespmem:$0x1E928] =	vst v63  }
0x51: {  	_ =	swait.ge [sflag:s4], $0x7A18  }
0x52: {  	[sflag:s4] =	ssyncset.done $0x0  }
.LBB2_2:
0x53: {  	[sflag:s4] =	ssyncadd.s32 $0xFFFF85E8  }
0x54: {  	_ =	sfence.sel $0x180000  }
0x55: {  	[bflag:$0x0] =	sbarrier.arrive $0xFFFF  }
0x56: {  	_ =	strace $0x90000047  }
0x57: {  	s0 =	sadd.s32 @!p0 $0x100000, s0;
	[bflag:$0x2] =	sbarrier.arrive $0xFFFF  }
0x58: {  	[sflag:s0] =	ssyncadd.tile.s32 @!p0 $0x1;
	_ =	shalt  }
.Lfunc_end2:
_tile_overlayer_lowered:
.L_overlay_start_2:
0x59: {  	(tag) =	ssettag $0x2  }
0x5a: {  	s0 =	rddreg [dreg:$0x0];
	s2 =	stileid.u32  }
0x5b: {  	s1 =	rddreg [dreg:$0x1];
	p0 =	sne.s32 s2, $0x0  }
0x5c: {  	s3 =	rddreg [dreg:$0x2];
	[bflag:$0x3] =	sbarrier.arrive $0xFFFF;
	s2 =	simm.s32 @!p0 $0x1C02  }
0x5d: {  	[timem:s3], [sflag:s2] =	dma.local @!p0 [hbm:s0], s1  }
0x5e: {  	s0 =	simm.s32 @!p0 $0x2  }
0x5f: {  	_ =	swait.ge @!p0 [sflag:s0], s1  }
0x60: {  	s1 =	ssub.s32 @!p0 $0x0, s1;
	[sflag:s0] =	ssyncset.done @!p0 $0x0  }
0x61: {  	[sflag:s0] =	ssyncadd.s32 @!p0 s1  }
0x62: {  	[bflag:$0x3] =	sbarrier.arrive $0xFFFF  }
0x63: {  	_ =	shalt  }

</sc_bundles>
